<compile_context>
chip_gen: v7x
topology: tpu7x:2x2x1
jax: 0.10.2.dev20260603
libtpu: 0.0.44.dev20260713+nightly
codegen_flags: <defaults>
</compile_context>

<pallas_src>
import jax
import jax.numpy as jnp
from jax import lax
from jax.experimental import pallas as pl
from jax.experimental.pallas import tpu as pltpu
from jax.experimental.pallas import tpu_sc as plsc

NUM_CLASSES = 80
IOU_THRESHOLD = 0.5
M = 100
N = 20000
LANES = 16
NW = 32
PPW = 128
SC_N = NW * PPW
TC_N = N - SC_N
VPW = PPW // LANES
JB = 4
TCB = 4096
TC_GRID = -(-TC_N // TCB)



def _sc_body(pb_hbm, gt_hbm, combo_hbm,
             vals_out, idxs_out, labs_out, cls_out,
             prop_v, gt_v, combo_v,
             vals_v, idxs_v, labs_v, clso_v, dsem):
    c = lax.axis_index("c")
    s = lax.axis_index("s")
    wid = s * 2 + c
    base = wid * PPW

    cp1 = pltpu.async_copy(pb_hbm.at[:, pl.ds(base, PPW)], prop_v, dsem)
    cp2 = pltpu.async_copy(gt_hbm, gt_v, dsem)
    cp3 = pltpu.async_copy(combo_hbm, combo_v, dsem)
    cp1.wait()
    cp2.wait()
    cp3.wait()

    def j_body(j, carry):
        o = j * (LANES * JB)

        px1 = [prop_v[0, pl.ds(o + k * LANES, LANES)] for k in range(JB)]
        py1 = [prop_v[1, pl.ds(o + k * LANES, LANES)] for k in range(JB)]
        px2 = [prop_v[2, pl.ds(o + k * LANES, LANES)] for k in range(JB)]
        py2 = [prop_v[3, pl.ds(o + k * LANES, LANES)] for k in range(JB)]
        parea = [(px2[k] - px1[k]) * (py2[k] - py1[k]) for k in range(JB)]

        def g_body(g, st):
            bval, bcombo = st
            gx1 = gt_v[0, g, :]
            gy1 = gt_v[1, g, :]
            gx2 = gt_v[2, g, :]
            gy2 = gt_v[3, g, :]
            ga = gt_v[4, g, :]
            combo = combo_v[g, :]
            nbval = []
            nbcombo = []
            for k in range(JB):
                w = jnp.maximum(
                    jnp.minimum(px2[k], gx2) - jnp.maximum(px1[k], gx1), 0.0)
                h = jnp.minimum(py2[k], gy2) - jnp.maximum(py1[k], gy1)
                inter = w * h
                iou = inter / (parea[k] + ga - inter)
                upd = iou > bval[k]
                nbval.append(jnp.where(upd, iou, bval[k]))
                nbcombo.append(jnp.where(upd, combo, bcombo[k]))
            return tuple(nbval), tuple(nbcombo)

        zero_f = jnp.zeros((LANES,), jnp.float32)
        combo0 = combo_v[0, :]
        init = ((zero_f,) * JB, (combo0,) * JB)
        bval, bcombo = lax.fori_loop(0, M, g_body, init)

        zero_i = jnp.zeros((LANES,), jnp.int32)
        for k in range(JB):
            ok = o + k * LANES
            fg = bval[k] >= IOU_THRESHOLD
            bidx = lax.shift_right_logical(bcombo[k], 7)
            cls = lax.bitwise_and(bcombo[k], zero_i + 127)
            vals_v[pl.ds(ok, LANES)] = bval[k]
            idxs_v[pl.ds(ok, LANES)] = bidx
            labs_v[pl.ds(ok, LANES)] = jnp.where(fg, zero_i + 1, zero_i)
            clso_v[pl.ds(ok, LANES)] = jnp.where(fg, cls, zero_i + NUM_CLASSES)
        return carry

    lax.fori_loop(0, VPW // JB, j_body, 0)

    co1 = pltpu.async_copy(vals_v, vals_out.at[pl.ds(base, PPW)], dsem)
    co2 = pltpu.async_copy(idxs_v, idxs_out.at[pl.ds(base, PPW)], dsem)
    co3 = pltpu.async_copy(labs_v, labs_out.at[pl.ds(base, PPW)], dsem)
    co4 = pltpu.async_copy(clso_v, cls_out.at[pl.ds(base, PPW)], dsem)
    co1.wait()
    co2.wait()
    co3.wait()
    co4.wait()


_sc_match = pl.kernel(
    _sc_body,
    out_type=(jax.ShapeDtypeStruct((SC_N,), jnp.float32),
              jax.ShapeDtypeStruct((SC_N,), jnp.int32),
              jax.ShapeDtypeStruct((SC_N,), jnp.int32),
              jax.ShapeDtypeStruct((SC_N,), jnp.int32)),
    mesh=plsc.VectorSubcoreMesh(core_axis_name="c", subcore_axis_name="s"),
    scratch_types=[
        pltpu.VMEM((4, PPW), jnp.float32),
        pltpu.VMEM((5, M, LANES), jnp.float32),
        pltpu.VMEM((M, LANES), jnp.int32),
        pltpu.VMEM((PPW,), jnp.float32),
        pltpu.VMEM((PPW,), jnp.int32),
        pltpu.VMEM((PPW,), jnp.int32),
        pltpu.VMEM((PPW,), jnp.int32),
        pltpu.SemaphoreType.DMA,
    ],
)



def _tc_body(gt_ref, combo_ref, pb_ref,
             vals_ref, idxs_ref, labs_ref, cls_ref):
    px1 = pb_ref[0, :]
    py1 = pb_ref[1, :]
    px2 = pb_ref[2, :]
    py2 = pb_ref[3, :]
    parea = (px2 - px1) * (py2 - py1)

    def g_body(g, st):
        bval, bcombo = st
        gx1 = gt_ref[0, g]
        gy1 = gt_ref[1, g]
        gx2 = gt_ref[2, g]
        gy2 = gt_ref[3, g]
        ga = gt_ref[4, g]
        combo = combo_ref[g]
        w = jnp.maximum(jnp.minimum(px2, gx2) - jnp.maximum(px1, gx1), 0.0)
        h = jnp.minimum(py2, gy2) - jnp.maximum(py1, gy1)
        inter = w * h
        iou = inter / (parea + ga - inter)
        upd = iou > bval
        bval = jnp.where(upd, iou, bval)
        bcombo = jnp.where(upd, combo, bcombo)
        return bval, bcombo

    init = (jnp.zeros((TCB,), jnp.float32),
            jnp.full((TCB,), combo_ref[0], jnp.int32))
    bval, bcombo = lax.fori_loop(0, M, g_body, init)

    fg = bval >= IOU_THRESHOLD
    bidx = lax.shift_right_logical(bcombo, 7)
    cls = lax.bitwise_and(bcombo, 127)
    vals_ref[...] = bval
    idxs_ref[...] = bidx
    labs_ref[...] = fg.astype(jnp.int32)
    cls_ref[...] = jnp.where(fg, cls, NUM_CLASSES)


_tc_match = pl.pallas_call(
    _tc_body,
    grid=(TC_GRID,),
    in_specs=[
        pl.BlockSpec(memory_space=pltpu.SMEM),
        pl.BlockSpec(memory_space=pltpu.SMEM),
        pl.BlockSpec((4, TCB), lambda i: (0, SC_N // TCB + i)),
    ],
    out_specs=[
        pl.BlockSpec((TCB,), lambda i: (i,)),
        pl.BlockSpec((TCB,), lambda i: (i,)),
        pl.BlockSpec((TCB,), lambda i: (i,)),
        pl.BlockSpec((TCB,), lambda i: (i,)),
    ],
    out_shape=(jax.ShapeDtypeStruct((TC_N,), jnp.float32),
               jax.ShapeDtypeStruct((TC_N,), jnp.int32),
               jax.ShapeDtypeStruct((TC_N,), jnp.int32),
               jax.ShapeDtypeStruct((TC_N,), jnp.int32)),
)


def kernel(proposal_boxes, gt_boxes, gt_classes):
    pb_t = jnp.transpose(proposal_boxes.astype(jnp.float32))
    gtt = jnp.transpose(gt_boxes.astype(jnp.float32))
    garea = ((gtt[2] - gtt[0]) * (gtt[3] - gtt[1]))[None]
    gt_all = jnp.concatenate([gtt, garea], axis=0)
    combo = (jnp.arange(M, dtype=jnp.int32) * 128
             + gt_classes.astype(jnp.int32))
    gt_rep = jnp.broadcast_to(gt_all[:, :, None], (5, M, LANES))
    combo_rep = jnp.broadcast_to(combo[:, None], (M, LANES))

    sc_out = _sc_match(pb_t, gt_rep, combo_rep)
    tc_out = _tc_match(gt_all, combo, pb_t)
    return tuple(jnp.concatenate([a, b]) for a, b in zip(sc_out, tc_out))

# --- scband reference (transcript-rebuilt; emitter-appended) ---
"""Pipeline reference for scband-roiheads-35192962023443 (READ-ONLY COPY).

The authoritative reference and input builder live on the scoring server;
editing this copy changes nothing except your own understanding.
"""

import jax, jax.numpy as jnp
import numpy as np

NUM_CLASSES = 80
IOU_THRESHOLD = 0.5
IMG_SIZE = 1024.0


def _make_boxes(key, n, img=IMG_SIZE):
    k1, k2 = jax.random.split(key)
    cxcy = jax.random.uniform(k1, (n, 2), minval=0.0, maxval=img)
    wh = jax.random.uniform(k2, (n, 2), minval=8.0, maxval=256.0)
    x1y1 = jnp.clip(cxcy - wh / 2.0, 0.0, img)
    x2y2 = jnp.clip(cxcy + wh / 2.0, 0.0, img)
    return jnp.concatenate([x1y1, x2y2], axis=1).astype(jnp.float32)


def setup_inputs(seed: int = 0) -> dict:
    key = jax.random.key(seed)
    k1, k2, k3 = jax.random.split(key, 3)
    proposal_boxes = _make_boxes(k1, 20000)
    gt_boxes = _make_boxes(k2, 100)
    gt_classes = jax.random.randint(k3, (100,), 0, NUM_CLASSES)
    return {"proposal_boxes": proposal_boxes, "gt_boxes": gt_boxes, "gt_classes": gt_classes}


def _pairwise_iou(boxes1, boxes2):
    # boxes1: [M, 4], boxes2: [N, 4] in x1,y1,x2,y2 -> IoU matrix [M, N]
    area1 = (boxes1[:, 2] - boxes1[:, 0]) * (boxes1[:, 3] - boxes1[:, 1])
    area2 = (boxes2[:, 2] - boxes2[:, 0]) * (boxes2[:, 3] - boxes2[:, 1])
    lt = jnp.maximum(boxes1[:, None, :2], boxes2[None, :, :2])
    rb = jnp.minimum(boxes1[:, None, 2:], boxes2[None, :, 2:])
    wh = jnp.clip(rb - lt, 0.0)
    inter = wh[..., 0] * wh[..., 1]
    union = area1[:, None] + area2[None, :] - inter
    return inter / jnp.maximum(union, 1e-6)


def reference(proposal_boxes, gt_boxes, gt_classes):
    # Core computation of ROIHeads.label_and_sample_proposals:
    # 1) match_quality_matrix = pairwise_iou(gt_boxes, proposal_boxes)  [M, N]
    match_quality_matrix = _pairwise_iou(gt_boxes, proposal_boxes)
    # 2) Matcher: best-matched gt per proposal + label by IoU threshold
    matched_vals = jnp.max(match_quality_matrix, axis=0)
    matched_idxs = jnp.argmax(match_quality_matrix, axis=0)
    matched_labels = (matched_vals >= IOU_THRESHOLD).astype(jnp.int32)
    # 3) _sample_proposals label assignment: gather gt class, background where label==0
    gt_classes_per_prop = jnp.take(gt_classes, matched_idxs, axis=0)
    gt_classes_per_prop = jnp.where(matched_labels == 0, NUM_CLASSES, gt_classes_per_prop)
    return matched_vals, matched_idxs, matched_labels, gt_classes_per_prop

if __name__ == "__main__":
    import jax
    _d = setup_inputs()
    print(jax.jit(kernel)(*tuple(_d.values())))

</pallas_src>

<mosaic_0001>
#map = affine_map<(d0, d1) -> (0, 0)>
#map1 = affine_map<(d0, d1) -> (0, 0, 0)>
#map2 = affine_map<(d0, d1) -> (0)>
module attributes {stable_mosaic.version = 14 : i64} {
  func.func @_sc_body(%arg0: i32, %arg1: i32, %arg2: memref<4x20000xf32, #tpu.memory_space<hbm>>, %arg3: memref<5x100x16xf32, #tpu.memory_space<hbm>>, %arg4: memref<100x16xi32, #tpu.memory_space<hbm>>, %arg5: memref<4096xf32, #tpu.memory_space<hbm>>, %arg6: memref<4096xi32, #tpu.memory_space<hbm>>, %arg7: memref<4096xi32, #tpu.memory_space<hbm>>, %arg8: memref<4096xi32, #tpu.memory_space<hbm>>, %arg9: memref<4x128xf32, #tpu.memory_space<vmem>>, %arg10: memref<5x100x16xf32, #tpu.memory_space<vmem>>, %arg11: memref<100x16xi32, #tpu.memory_space<vmem>>, %arg12: memref<128xf32, #tpu.memory_space<vmem>>, %arg13: memref<128xi32, #tpu.memory_space<vmem>>, %arg14: memref<128xi32, #tpu.memory_space<vmem>>, %arg15: memref<128xi32, #tpu.memory_space<vmem>>, %arg16: memref<!tpu.dma_semaphore, #tpu.memory_space<semaphore_mem>>) attributes {dimension_semantics = [#tpu.dimension_semantics<core_parallel>, #tpu.dimension_semantics<subcore_parallel>], iteration_bounds = array<i64: 2, 16>, scalar_prefetch = 0 : i64, scratch_operands = 8 : i64, tpu.core_type = #tpu.core_type<sc_vector_subcore>, window_params = [{transform_indices = #map}, {transform_indices = #map1}, {transform_indices = #map}, {transform_indices = #map2}, {transform_indices = #map2}, {transform_indices = #map2}, {transform_indices = #map2}]} {
    %mul3A = arith.constant 2 : i32
    %mul3A_0 = arith.muli %arg1, %mul3A : i32
    %add3A = arith.addi %mul3A_0, %arg0 : i32
    %mul3A_1 = arith.constant 128 : i32
    %mul3A_2 = arith.muli %add3A, %mul3A_1 : i32
    %dma_start3A = arith.constant 0 : i32
    %dma_start3A_3 = tpu.memref_slice %arg2[%dma_start3A, %mul3A_2] : memref<4x20000xf32, #tpu.memory_space<hbm>> -> memref<4x128xf32, #tpu.memory_space<hbm>>
    %dma_start3A_4 = arith.constant 0 : i32
    %dma_start3A_5 = tpu.memref_slice %arg2[%dma_start3A_4, %mul3A_2] : memref<4x20000xf32, #tpu.memory_space<hbm>> -> memref<4x128xf32, #tpu.memory_space<hbm>>
    tpu.enqueue_dma source(%dma_start3A_5 : memref<4x128xf32, #tpu.memory_space<hbm>>) target(%arg9 : memref<4x128xf32, #tpu.memory_space<vmem>>) target_semaphore(%arg16 : memref<!tpu.dma_semaphore, #tpu.memory_space<semaphore_mem>>)
    tpu.enqueue_dma source(%arg3 : memref<5x100x16xf32, #tpu.memory_space<hbm>>) target(%arg10 : memref<5x100x16xf32, #tpu.memory_space<vmem>>) target_semaphore(%arg16 : memref<!tpu.dma_semaphore, #tpu.memory_space<semaphore_mem>>)
    tpu.enqueue_dma source(%arg4 : memref<100x16xi32, #tpu.memory_space<hbm>>) target(%arg11 : memref<100x16xi32, #tpu.memory_space<vmem>>) target_semaphore(%arg16 : memref<!tpu.dma_semaphore, #tpu.memory_space<semaphore_mem>>)
    %dma_wait3A = arith.constant 0 : i32
    %dma_wait3A_6 = tpu.memref_slice %arg2[%dma_wait3A, %mul3A_2] : memref<4x20000xf32, #tpu.memory_space<hbm>> -> memref<4x128xf32, #tpu.memory_space<hbm>>
    %dma_wait3A_7 = arith.constant 0 : i32
    %dma_wait3A_8 = tpu.memref_slice %arg2[%dma_wait3A_7, %mul3A_2] : memref<4x20000xf32, #tpu.memory_space<hbm>> -> memref<4x128xf32, #tpu.memory_space<hbm>>
    tpu.wait_dma2 semaphore(%arg16 : memref<!tpu.dma_semaphore, #tpu.memory_space<semaphore_mem>>) src(%dma_wait3A_8 : memref<4x128xf32, #tpu.memory_space<hbm>>) dst(%arg9 : memref<4x128xf32, #tpu.memory_space<vmem>>)
    tpu.wait_dma2 semaphore(%arg16 : memref<!tpu.dma_semaphore, #tpu.memory_space<semaphore_mem>>) src(%arg3 : memref<5x100x16xf32, #tpu.memory_space<hbm>>) dst(%arg10 : memref<5x100x16xf32, #tpu.memory_space<vmem>>)
    tpu.wait_dma2 semaphore(%arg16 : memref<!tpu.dma_semaphore, #tpu.memory_space<semaphore_mem>>) src(%arg4 : memref<100x16xi32, #tpu.memory_space<hbm>>) dst(%arg11 : memref<100x16xi32, #tpu.memory_space<vmem>>)
    %scan3A = arith.constant 0 : i32
    %scan3A_9 = arith.constant 0 : i32
    %scan3A_10 = arith.constant 2 : i32
    %scan3A_11 = arith.addi %scan3A_9, %scan3A_10 : i32
    %scan3A_12 = arith.constant 1 : i32
    scf.for %scan3A_30 = %scan3A_9 to %scan3A_11 step %scan3A_12  : i32 {
      %mul3A_31 = arith.constant 64 : i32
      %mul3A_32 = arith.muli %scan3A_30, %mul3A_31 : i32
      %add3A_33 = arith.constant 0 : i32
      %add3A_34 = arith.addi %mul3A_32, %add3A_33 : i32
      %get3A = arith.constant 0 : i32
      %get3A_35 = arith.index_cast %get3A : i32 to index
      %get3A_36 = arith.index_cast %add3A_34 : i32 to index
      %get3A_37 = tpu.vector_load %arg9[%get3A_35, %get3A_36] {strides = array<i32>} : memref<4x128xf32, #tpu.memory_space<vmem>>, vector<1x16xf32>,
      %get3A_38 = vector.shape_cast %get3A_37 : vector<1x16xf32> to vector<16xf32>
      %add3A_39 = arith.constant 16 : i32
      %add3A_40 = arith.addi %mul3A_32, %add3A_39 : i32
      %get3A_41 = arith.constant 0 : i32
      %get3A_42 = arith.index_cast %get3A_41 : i32 to index
      %get3A_43 = arith.index_cast %add3A_40 : i32 to index
      %get3A_44 = tpu.vector_load %arg9[%get3A_42, %get3A_43] {strides = array<i32>} : memref<4x128xf32, #tpu.memory_space<vmem>>, vector<1x16xf32>,
      %get3A_45 = vector.shape_cast %get3A_44 : vector<1x16xf32> to vector<16xf32>
      %add3A_46 = arith.constant 32 : i32
      %add3A_47 = arith.addi %mul3A_32, %add3A_46 : i32
      %get3A_48 = arith.constant 0 : i32
      %get3A_49 = arith.index_cast %get3A_48 : i32 to index
      %get3A_50 = arith.index_cast %add3A_47 : i32 to index
      %get3A_51 = tpu.vector_load %arg9[%get3A_49, %get3A_50] {strides = array<i32>} : memref<4x128xf32, #tpu.memory_space<vmem>>, vector<1x16xf32>,
      %get3A_52 = vector.shape_cast %get3A_51 : vector<1x16xf32> to vector<16xf32>
      %add3A_53 = arith.constant 48 : i32
      %add3A_54 = arith.addi %mul3A_32, %add3A_53 : i32
      %get3A_55 = arith.constant 0 : i32
      %get3A_56 = arith.index_cast %get3A_55 : i32 to index
      %get3A_57 = arith.index_cast %add3A_54 : i32 to index
      %get3A_58 = tpu.vector_load %arg9[%get3A_56, %get3A_57] {strides = array<i32>} : memref<4x128xf32, #tpu.memory_space<vmem>>, vector<1x16xf32>,
      %get3A_59 = vector.shape_cast %get3A_58 : vector<1x16xf32> to vector<16xf32>
      %add3A_60 = arith.constant 0 : i32
      %add3A_61 = arith.addi %mul3A_32, %add3A_60 : i32
      %get3A_62 = arith.constant 1 : i32
      %get3A_63 = arith.index_cast %get3A_62 : i32 to index
      %get3A_64 = arith.index_cast %add3A_61 : i32 to index
      %get3A_65 = tpu.vector_load %arg9[%get3A_63, %get3A_64] {strides = array<i32>} : memref<4x128xf32, #tpu.memory_space<vmem>>, vector<1x16xf32>,
      %get3A_66 = vector.shape_cast %get3A_65 : vector<1x16xf32> to vector<16xf32>
      %add3A_67 = arith.constant 16 : i32
      %add3A_68 = arith.addi %mul3A_32, %add3A_67 : i32
      %get3A_69 = arith.constant 1 : i32
      %get3A_70 = arith.index_cast %get3A_69 : i32 to index
      %get3A_71 = arith.index_cast %add3A_68 : i32 to index
      %get3A_72 = tpu.vector_load %arg9[%get3A_70, %get3A_71] {strides = array<i32>} : memref<4x128xf32, #tpu.memory_space<vmem>>, vector<1x16xf32>,
      %get3A_73 = vector.shape_cast %get3A_72 : vector<1x16xf32> to vector<16xf32>
      %add3A_74 = arith.constant 32 : i32
      %add3A_75 = arith.addi %mul3A_32, %add3A_74 : i32
      %get3A_76 = arith.constant 1 : i32
      %get3A_77 = arith.index_cast %get3A_76 : i32 to index
      %get3A_78 = arith.index_cast %add3A_75 : i32 to index
      %get3A_79 = tpu.vector_load %arg9[%get3A_77, %get3A_78] {strides = array<i32>} : memref<4x128xf32, #tpu.memory_space<vmem>>, vector<1x16xf32>,
      %get3A_80 = vector.shape_cast %get3A_79 : vector<1x16xf32> to vector<16xf32>
      %add3A_81 = arith.constant 48 : i32
      %add3A_82 = arith.addi %mul3A_32, %add3A_81 : i32
      %get3A_83 = arith.constant 1 : i32
      %get3A_84 = arith.index_cast %get3A_83 : i32 to index
      %get3A_85 = arith.index_cast %add3A_82 : i32 to index
      %get3A_86 = tpu.vector_load %arg9[%get3A_84, %get3A_85] {strides = array<i32>} : memref<4x128xf32, #tpu.memory_space<vmem>>, vector<1x16xf32>,
      %get3A_87 = vector.shape_cast %get3A_86 : vector<1x16xf32> to vector<16xf32>
      %add3A_88 = arith.constant 0 : i32
      %add3A_89 = arith.addi %mul3A_32, %add3A_88 : i32
      %get3A_90 = arith.constant 2 : i32
      %get3A_91 = arith.index_cast %get3A_90 : i32 to index
      %get3A_92 = arith.index_cast %add3A_89 : i32 to index
      %get3A_93 = tpu.vector_load %arg9[%get3A_91, %get3A_92] {strides = array<i32>} : memref<4x128xf32, #tpu.memory_space<vmem>>, vector<1x16xf32>,
      %get3A_94 = vector.shape_cast %get3A_93 : vector<1x16xf32> to vector<16xf32>
      %add3A_95 = arith.constant 16 : i32
      %add3A_96 = arith.addi %mul3A_32, %add3A_95 : i32
      %get3A_97 = arith.constant 2 : i32
      %get3A_98 = arith.index_cast %get3A_97 : i32 to index
      %get3A_99 = arith.index_cast %add3A_96 : i32 to index
      %get3A_100 = tpu.vector_load %arg9[%get3A_98, %get3A_99] {strides = array<i32>} : memref<4x128xf32, #tpu.memory_space<vmem>>, vector<1x16xf32>,
      %get3A_101 = vector.shape_cast %get3A_100 : vector<1x16xf32> to vector<16xf32>
      %add3A_102 = arith.constant 32 : i32
      %add3A_103 = arith.addi %mul3A_32, %add3A_102 : i32
      %get3A_104 = arith.constant 2 : i32
      %get3A_105 = arith.index_cast %get3A_104 : i32 to index
      %get3A_106 = arith.index_cast %add3A_103 : i32 to index
      %get3A_107 = tpu.vector_load %arg9[%get3A_105, %get3A_106] {strides = array<i32>} : memref<4x128xf32, #tpu.memory_space<vmem>>, vector<1x16xf32>,
      %get3A_108 = vector.shape_cast %get3A_107 : vector<1x16xf32> to vector<16xf32>
      %add3A_109 = arith.constant 48 : i32
      %add3A_110 = arith.addi %mul3A_32, %add3A_109 : i32
      %get3A_111 = arith.constant 2 : i32
      %get3A_112 = arith.index_cast %get3A_111 : i32 to index
      %get3A_113 = arith.index_cast %add3A_110 : i32 to index
      %get3A_114 = tpu.vector_load %arg9[%get3A_112, %get3A_113] {strides = array<i32>} : memref<4x128xf32, #tpu.memory_space<vmem>>, vector<1x16xf32>,
      %get3A_115 = vector.shape_cast %get3A_114 : vector<1x16xf32> to vector<16xf32>
      %add3A_116 = arith.constant 0 : i32
      %add3A_117 = arith.addi %mul3A_32, %add3A_116 : i32
      %get3A_118 = arith.constant 3 : i32
      %get3A_119 = arith.index_cast %get3A_118 : i32 to index
      %get3A_120 = arith.index_cast %add3A_117 : i32 to index
      %get3A_121 = tpu.vector_load %arg9[%get3A_119, %get3A_120] {strides = array<i32>} : memref<4x128xf32, #tpu.memory_space<vmem>>, vector<1x16xf32>,
      %get3A_122 = vector.shape_cast %get3A_121 : vector<1x16xf32> to vector<16xf32>
      %add3A_123 = arith.constant 16 : i32
      %add3A_124 = arith.addi %mul3A_32, %add3A_123 : i32
      %get3A_125 = arith.constant 3 : i32
      %get3A_126 = arith.index_cast %get3A_125 : i32 to index
      %get3A_127 = arith.index_cast %add3A_124 : i32 to index
      %get3A_128 = tpu.vector_load %arg9[%get3A_126, %get3A_127] {strides = array<i32>} : memref<4x128xf32, #tpu.memory_space<vmem>>, vector<1x16xf32>,
      %get3A_129 = vector.shape_cast %get3A_128 : vector<1x16xf32> to vector<16xf32>
      %add3A_130 = arith.constant 32 : i32
      %add3A_131 = arith.addi %mul3A_32, %add3A_130 : i32
      %get3A_132 = arith.constant 3 : i32
      %get3A_133 = arith.index_cast %get3A_132 : i32 to index
      %get3A_134 = arith.index_cast %add3A_131 : i32 to index
      %get3A_135 = tpu.vector_load %arg9[%get3A_133, %get3A_134] {strides = array<i32>} : memref<4x128xf32, #tpu.memory_space<vmem>>, vector<1x16xf32>,
      %get3A_136 = vector.shape_cast %get3A_135 : vector<1x16xf32> to vector<16xf32>
      %add3A_137 = arith.constant 48 : i32
      %add3A_138 = arith.addi %mul3A_32, %add3A_137 : i32
      %get3A_139 = arith.constant 3 : i32
      %get3A_140 = arith.index_cast %get3A_139 : i32 to index
      %get3A_141 = arith.index_cast %add3A_138 : i32 to index
      %get3A_142 = tpu.vector_load %arg9[%get3A_140, %get3A_141] {strides = array<i32>} : memref<4x128xf32, #tpu.memory_space<vmem>>, vector<1x16xf32>,
      %get3A_143 = vector.shape_cast %get3A_142 : vector<1x16xf32> to vector<16xf32>
      %sub3A = arith.subf %get3A_94, %get3A_38 : vector<16xf32>
      %sub3A_144 = arith.subf %get3A_122, %get3A_66 : vector<16xf32>
      %mul3A_145 = arith.mulf %sub3A, %sub3A_144 : vector<16xf32>
      %sub3A_146 = arith.subf %get3A_101, %get3A_45 : vector<16xf32>
      %sub3A_147 = arith.subf %get3A_129, %get3A_73 : vector<16xf32>
      %mul3A_148 = arith.mulf %sub3A_146, %sub3A_147 : vector<16xf32>
      %sub3A_149 = arith.subf %get3A_108, %get3A_52 : vector<16xf32>
      %sub3A_150 = arith.subf %get3A_136, %get3A_80 : vector<16xf32>
      %mul3A_151 = arith.mulf %sub3A_149, %sub3A_150 : vector<16xf32>
      %sub3A_152 = arith.subf %get3A_115, %get3A_59 : vector<16xf32>
      %sub3A_153 = arith.subf %get3A_143, %get3A_87 : vector<16xf32>
      %mul3A_154 = arith.mulf %sub3A_152, %sub3A_153 : vector<16xf32>
      %broadcast_in_dim3A = arith.constant 0.000000e+00 : f32
      %broadcast_in_dim3A_155 = vector.broadcast %broadcast_in_dim3A : f32 to vector<16xf32>
      %get3A_156 = arith.constant 0 : i32
      %get3A_157 = arith.index_cast %get3A_156 : i32 to index
      %get3A_158 = arith.constant 0 : index
      %get3A_159 = tpu.vector_load %arg11[%get3A_157, %get3A_158] {strides = array<i32>} : memref<100x16xi32, #tpu.memory_space<vmem>>, vector<1x16xi32>,
      %get3A_160 = vector.shape_cast %get3A_159 : vector<1x16xi32> to vector<16xi32>
      %scan3A_161 = arith.constant 0 : i32
      %scan3A_162 = arith.constant 100 : i32
      %scan3A_163 = arith.addi %scan3A_161, %scan3A_162 : i32
      %scan3A_164 = arith.constant 1 : i32
      %scan3A_165:8 = scf.for %scan3A_308 = %scan3A_161 to %scan3A_163 step %scan3A_164 iter_args(%scan3A_309 = %broadcast_in_dim3A_155, %scan3A_310 = %broadcast_in_dim3A_155, %scan3A_311 = %broadcast_in_dim3A_155, %scan3A_312 = %broadcast_in_dim3A_155, %scan3A_313 = %get3A_160, %scan3A_314 = %get3A_160, %scan3A_315 = %get3A_160, %scan3A_316 = %get3A_160) -> (vector<16xf32>, vector<16xf32>, vector<16xf32>, vector<16xf32>, vector<16xi32>, vector<16xi32>, vector<16xi32>, vector<16xi32>)  : i32 {
        %get3A_317 = arith.constant 0 : i32
        %get3A_318 = arith.index_cast %get3A_317 : i32 to index
        %get3A_319 = arith.index_cast %scan3A_308 : i32 to index
        %get3A_320 = arith.constant 0 : index
        %get3A_321 = tpu.vector_load %arg10[%get3A_318, %get3A_319, %get3A_320] {strides = array<i32>} : memref<5x100x16xf32, #tpu.memory_space<vmem>>, vector<1x1x16xf32>,
        %get3A_322 = vector.shape_cast %get3A_321 : vector<1x1x16xf32> to vector<16xf32>
        %get3A_323 = arith.constant 1 : i32
        %get3A_324 = arith.index_cast %get3A_323 : i32 to index
        %get3A_325 = arith.index_cast %scan3A_308 : i32 to index
        %get3A_326 = arith.constant 0 : index
        %get3A_327 = tpu.vector_load %arg10[%get3A_324, %get3A_325, %get3A_326] {strides = array<i32>} : memref<5x100x16xf32, #tpu.memory_space<vmem>>, vector<1x1x16xf32>,
        %get3A_328 = vector.shape_cast %get3A_327 : vector<1x1x16xf32> to vector<16xf32>
        %get3A_329 = arith.constant 2 : i32
        %get3A_330 = arith.index_cast %get3A_329 : i32 to index
        %get3A_331 = arith.index_cast %scan3A_308 : i32 to index
        %get3A_332 = arith.constant 0 : index
        %get3A_333 = tpu.vector_load %arg10[%get3A_330, %get3A_331, %get3A_332] {strides = array<i32>} : memref<5x100x16xf32, #tpu.memory_space<vmem>>, vector<1x1x16xf32>,
        %get3A_334 = vector.shape_cast %get3A_333 : vector<1x1x16xf32> to vector<16xf32>
        %get3A_335 = arith.constant 3 : i32
        %get3A_336 = arith.index_cast %get3A_335 : i32 to index
        %get3A_337 = arith.index_cast %scan3A_308 : i32 to index
        %get3A_338 = arith.constant 0 : index
        %get3A_339 = tpu.vector_load %arg10[%get3A_336, %get3A_337, %get3A_338] {strides = array<i32>} : memref<5x100x16xf32, #tpu.memory_space<vmem>>, vector<1x1x16xf32>,
        %get3A_340 = vector.shape_cast %get3A_339 : vector<1x1x16xf32> to vector<16xf32>
        %get3A_341 = arith.constant 4 : i32
        %get3A_342 = arith.index_cast %get3A_341 : i32 to index
        %get3A_343 = arith.index_cast %scan3A_308 : i32 to index
        %get3A_344 = arith.constant 0 : index
        %get3A_345 = tpu.vector_load %arg10[%get3A_342, %get3A_343, %get3A_344] {strides = array<i32>} : memref<5x100x16xf32, #tpu.memory_space<vmem>>, vector<1x1x16xf32>,
        %get3A_346 = vector.shape_cast %get3A_345 : vector<1x1x16xf32> to vector<16xf32>
        %get3A_347 = arith.index_cast %scan3A_308 : i32 to index
        %get3A_348 = arith.constant 0 : index
        %get3A_349 = tpu.vector_load %arg11[%get3A_347, %get3A_348] {strides = array<i32>} : memref<100x16xi32, #tpu.memory_space<vmem>>, vector<1x16xi32>,
        %get3A_350 = vector.shape_cast %get3A_349 : vector<1x16xi32> to vector<16xi32>
        %min3A = arith.minimumf %get3A_94, %get3A_334 : vector<16xf32>
        %max3A = arith.maximumf %get3A_38, %get3A_322 : vector<16xf32>
        %sub3A_351 = arith.subf %min3A, %max3A : vector<16xf32>
        %max3A_352 = arith.constant 0.000000e+00 : f32
        %max3A_353 = vector.broadcast %max3A_352 : f32 to vector<16xf32>
        %max3A_354 = arith.maximumf %sub3A_351, %max3A_353 : vector<16xf32>
        %min3A_355 = arith.minimumf %get3A_122, %get3A_340 : vector<16xf32>
        %max3A_356 = arith.maximumf %get3A_66, %get3A_328 : vector<16xf32>
        %sub3A_357 = arith.subf %min3A_355, %max3A_356 : vector<16xf32>
        %mul3A_358 = arith.mulf %max3A_354, %sub3A_357 : vector<16xf32>
        %add3A_359 = arith.addf %mul3A_145, %get3A_346 : vector<16xf32>
        %sub3A_360 = arith.subf %add3A_359, %mul3A_358 : vector<16xf32>
        %div3A = arith.divf %mul3A_358, %sub3A_360 : vector<16xf32>
        %gt3A = arith.cmpf ogt, %div3A, %scan3A_309 : vector<16xf32>
        %select_n3A_361 = arith.select %gt3A, %div3A, %scan3A_309 : vector<16xi1>, vector<16xf32>
        %select_n3A_362 = arith.select %gt3A, %get3A_350, %scan3A_313 : vector<16xi1>, vector<16xi32>
        %min3A_363 = arith.minimumf %get3A_101, %get3A_334 : vector<16xf32>
        %max3A_364 = arith.maximumf %get3A_45, %get3A_322 : vector<16xf32>
        %sub3A_365 = arith.subf %min3A_363, %max3A_364 : vector<16xf32>
        %max3A_366 = arith.constant 0.000000e+00 : f32
        %max3A_367 = vector.broadcast %max3A_366 : f32 to vector<16xf32>
        %max3A_368 = arith.maximumf %sub3A_365, %max3A_367 : vector<16xf32>
        %min3A_369 = arith.minimumf %get3A_129, %get3A_340 : vector<16xf32>
        %max3A_370 = arith.maximumf %get3A_73, %get3A_328 : vector<16xf32>
        %sub3A_371 = arith.subf %min3A_369, %max3A_370 : vector<16xf32>
        %mul3A_372 = arith.mulf %max3A_368, %sub3A_371 : vector<16xf32>
        %add3A_373 = arith.addf %mul3A_148, %get3A_346 : vector<16xf32>
        %sub3A_374 = arith.subf %add3A_373, %mul3A_372 : vector<16xf32>
        %div3A_375 = arith.divf %mul3A_372, %sub3A_374 : vector<16xf32>
        %gt3A_376 = arith.cmpf ogt, %div3A_375, %scan3A_310 : vector<16xf32>
        %select_n3A_377 = arith.select %gt3A_376, %div3A_375, %scan3A_310 : vector<16xi1>, vector<16xf32>
        %select_n3A_378 = arith.select %gt3A_376, %get3A_350, %scan3A_314 : vector<16xi1>, vector<16xi32>
        %min3A_379 = arith.minimumf %get3A_108, %get3A_334 : vector<16xf32>
        %max3A_380 = arith.maximumf %get3A_52, %get3A_322 : vector<16xf32>
        %sub3A_381 = arith.subf %min3A_379, %max3A_380 : vector<16xf32>
        %max3A_382 = arith.constant 0.000000e+00 : f32
        %max3A_383 = vector.broadcast %max3A_382 : f32 to vector<16xf32>
        %max3A_384 = arith.maximumf %sub3A_381, %max3A_383 : vector<16xf32>
        %min3A_385 = arith.minimumf %get3A_136, %get3A_340 : vector<16xf32>
        %max3A_386 = arith.maximumf %get3A_80, %get3A_328 : vector<16xf32>
        %sub3A_387 = arith.subf %min3A_385, %max3A_386 : vector<16xf32>
        %mul3A_388 = arith.mulf %max3A_384, %sub3A_387 : vector<16xf32>
        %add3A_389 = arith.addf %mul3A_151, %get3A_346 : vector<16xf32>
        %sub3A_390 = arith.subf %add3A_389, %mul3A_388 : vector<16xf32>
        %div3A_391 = arith.divf %mul3A_388, %sub3A_390 : vector<16xf32>
        %gt3A_392 = arith.cmpf ogt, %div3A_391, %scan3A_311 : vector<16xf32>
        %select_n3A_393 = arith.select %gt3A_392, %div3A_391, %scan3A_311 : vector<16xi1>, vector<16xf32>
        %select_n3A_394 = arith.select %gt3A_392, %get3A_350, %scan3A_315 : vector<16xi1>, vector<16xi32>
        %min3A_395 = arith.minimumf %get3A_115, %get3A_334 : vector<16xf32>
        %max3A_396 = arith.maximumf %get3A_59, %get3A_322 : vector<16xf32>
        %sub3A_397 = arith.subf %min3A_395, %max3A_396 : vector<16xf32>
        %max3A_398 = arith.constant 0.000000e+00 : f32
        %max3A_399 = vector.broadcast %max3A_398 : f32 to vector<16xf32>
        %max3A_400 = arith.maximumf %sub3A_397, %max3A_399 : vector<16xf32>
        %min3A_401 = arith.minimumf %get3A_143, %get3A_340 : vector<16xf32>
        %max3A_402 = arith.maximumf %get3A_87, %get3A_328 : vector<16xf32>
        %sub3A_403 = arith.subf %min3A_401, %max3A_402 : vector<16xf32>
        %mul3A_404 = arith.mulf %max3A_400, %sub3A_403 : vector<16xf32>
        %add3A_405 = arith.addf %mul3A_154, %get3A_346 : vector<16xf32>
        %sub3A_406 = arith.subf %add3A_405, %mul3A_404 : vector<16xf32>
        %div3A_407 = arith.divf %mul3A_404, %sub3A_406 : vector<16xf32>
        %gt3A_408 = arith.cmpf ogt, %div3A_407, %scan3A_312 : vector<16xf32>
        %select_n3A_409 = arith.select %gt3A_408, %div3A_407, %scan3A_312 : vector<16xi1>, vector<16xf32>
        %select_n3A_410 = arith.select %gt3A_408, %get3A_350, %scan3A_316 : vector<16xi1>, vector<16xi32>
        scf.yield %select_n3A_361, %select_n3A_377, %select_n3A_393, %select_n3A_409, %select_n3A_362, %select_n3A_378, %select_n3A_394, %select_n3A_410 : vector<16xf32>, vector<16xf32>, vector<16xf32>, vector<16xf32>, vector<16xi32>, vector<16xi32>, vector<16xi32>, vector<16xi32>
      }
      %scan3A_166 = arith.constant 100 : i32
      %broadcast_in_dim3A_167 = arith.constant 0 : i32
      %broadcast_in_dim3A_168 = vector.broadcast %broadcast_in_dim3A_167 : i32 to vector<16xi32>
      %add3A_169 = arith.constant 0 : i32
      %add3A_170 = arith.addi %mul3A_32, %add3A_169 : i32
      %ge3A = arith.constant 5.000000e-01 : f32
      %ge3A_171 = vector.broadcast %ge3A : f32 to vector<16xf32>
      %ge3A_172 = arith.cmpf oge, %scan3A_165#0, %ge3A_171 : vector<16xf32>
      %shift_right_logical3A = arith.constant 7 : i32
      %shift_right_logical3A_173 = vector.broadcast %shift_right_logical3A : i32 to vector<16xi32>
      %shift_right_logical3A_174 = arith.shrui %scan3A_165#4, %shift_right_logical3A_173 : vector<16xi32>
      %add3A_175 = arith.constant 127 : i32
      %add3A_176 = vector.broadcast %add3A_175 : i32 to vector<16xi32>
      %add3A_177 = arith.addi %broadcast_in_dim3A_168, %add3A_176 : vector<16xi32>
      %and3A = arith.andi %scan3A_165#4, %add3A_177 : vector<16xi32>
      %swap3A = arith.index_cast %add3A_170 : i32 to index
      %swap3A_178 = tpu.vector_load %arg12[%swap3A] {strides = array<i32>} : memref<128xf32, #tpu.memory_space<vmem>>, vector<16xf32>,
      %swap3A_179 = vector.shape_cast %swap3A_178 : vector<16xf32> to vector<16xf32>
      %swap3A_180 = vector.shape_cast %scan3A_165#0 : vector<16xf32> to vector<16xf32>
      tpu.vector_store %arg12[%swap3A], %swap3A_180 {strides = array<i32>} : memref<128xf32, #tpu.memory_space<vmem>>, vector<16xf32>,
      %swap3A_181 = arith.index_cast %add3A_170 : i32 to index
      %swap3A_182 = tpu.vector_load %arg13[%swap3A_181] {strides = array<i32>} : memref<128xi32, #tpu.memory_space<vmem>>, vector<16xi32>,
      %swap3A_183 = vector.shape_cast %swap3A_182 : vector<16xi32> to vector<16xi32>
      %swap3A_184 = vector.shape_cast %shift_right_logical3A_174 : vector<16xi32> to vector<16xi32>
      tpu.vector_store %arg13[%swap3A_181], %swap3A_184 {strides = array<i32>} : memref<128xi32, #tpu.memory_space<vmem>>, vector<16xi32>,
      %add3A_185 = arith.constant 1 : i32
      %add3A_186 = vector.broadcast %add3A_185 : i32 to vector<16xi32>
      %add3A_187 = arith.addi %broadcast_in_dim3A_168, %add3A_186 : vector<16xi32>
      %select_n3A = arith.select %ge3A_172, %add3A_187, %broadcast_in_dim3A_168 : vector<16xi1>, vector<16xi32>
      %swap3A_188 = arith.index_cast %add3A_170 : i32 to index
      %swap3A_189 = tpu.vector_load %arg14[%swap3A_188] {strides = array<i32>} : memref<128xi32, #tpu.memory_space<vmem>>, vector<16xi32>,
      %swap3A_190 = vector.shape_cast %swap3A_189 : vector<16xi32> to vector<16xi32>
      %swap3A_191 = vector.shape_cast %select_n3A : vector<16xi32> to vector<16xi32>
      tpu.vector_store %arg14[%swap3A_188], %swap3A_191 {strides = array<i32>} : memref<128xi32, #tpu.memory_space<vmem>>, vector<16xi32>,
      %add3A_192 = arith.constant 80 : i32
      %add3A_193 = vector.broadcast %add3A_192 : i32 to vector<16xi32>
      %add3A_194 = arith.addi %broadcast_in_dim3A_168, %add3A_193 : vector<16xi32>
      %select_n3A_195 = arith.select %ge3A_172, %and3A, %add3A_194 : vector<16xi1>, vector<16xi32>
      %swap3A_196 = arith.index_cast %add3A_170 : i32 to index
      %swap3A_197 = tpu.vector_load %arg15[%swap3A_196] {strides = array<i32>} : memref<128xi32, #tpu.memory_space<vmem>>, vector<16xi32>,
      %swap3A_198 = vector.shape_cast %swap3A_197 : vector<16xi32> to vector<16xi32>
      %swap3A_199 = vector.shape_cast %select_n3A_195 : vector<16xi32> to vector<16xi32>
      tpu.vector_store %arg15[%swap3A_196], %swap3A_199 {strides = array<i32>} : memref<128xi32, #tpu.memory_space<vmem>>, vector<16xi32>,
      %add3A_200 = arith.constant 16 : i32
      %add3A_201 = arith.addi %mul3A_32, %add3A_200 : i32
      %ge3A_202 = arith.constant 5.000000e-01 : f32
      %ge3A_203 = vector.broadcast %ge3A_202 : f32 to vector<16xf32>
      %ge3A_204 = arith.cmpf oge, %scan3A_165#1, %ge3A_203 : vector<16xf32>
      %shift_right_logical3A_205 = arith.constant 7 : i32
      %shift_right_logical3A_206 = vector.broadcast %shift_right_logical3A_205 : i32 to vector<16xi32>
      %shift_right_logical3A_207 = arith.shrui %scan3A_165#5, %shift_right_logical3A_206 : vector<16xi32>
      %add3A_208 = arith.constant 127 : i32
      %add3A_209 = vector.broadcast %add3A_208 : i32 to vector<16xi32>
      %add3A_210 = arith.addi %broadcast_in_dim3A_168, %add3A_209 : vector<16xi32>
      %and3A_211 = arith.andi %scan3A_165#5, %add3A_210 : vector<16xi32>
      %swap3A_212 = arith.index_cast %add3A_201 : i32 to index
      %swap3A_213 = tpu.vector_load %arg12[%swap3A_212] {strides = array<i32>} : memref<128xf32, #tpu.memory_space<vmem>>, vector<16xf32>,
      %swap3A_214 = vector.shape_cast %swap3A_213 : vector<16xf32> to vector<16xf32>
      %swap3A_215 = vector.shape_cast %scan3A_165#1 : vector<16xf32> to vector<16xf32>
      tpu.vector_store %arg12[%swap3A_212], %swap3A_215 {strides = array<i32>} : memref<128xf32, #tpu.memory_space<vmem>>, vector<16xf32>,
      %swap3A_216 = arith.index_cast %add3A_201 : i32 to index
      %swap3A_217 = tpu.vector_load %arg13[%swap3A_216] {strides = array<i32>} : memref<128xi32, #tpu.memory_space<vmem>>, vector<16xi32>,
      %swap3A_218 = vector.shape_cast %swap3A_217 : vector<16xi32> to vector<16xi32>
      %swap3A_219 = vector.shape_cast %shift_right_logical3A_207 : vector<16xi32> to vector<16xi32>
      tpu.vector_store %arg13[%swap3A_216], %swap3A_219 {strides = array<i32>} : memref<128xi32, #tpu.memory_space<vmem>>, vector<16xi32>,
      %add3A_220 = arith.constant 1 : i32
      %add3A_221 = vector.broadcast %add3A_220 : i32 to vector<16xi32>
      %add3A_222 = arith.addi %broadcast_in_dim3A_168, %add3A_221 : vector<16xi32>
      %select_n3A_223 = arith.select %ge3A_204, %add3A_222, %broadcast_in_dim3A_168 : vector<16xi1>, vector<16xi32>
      %swap3A_224 = arith.index_cast %add3A_201 : i32 to index
      %swap3A_225 = tpu.vector_load %arg14[%swap3A_224] {strides = array<i32>} : memref<128xi32, #tpu.memory_space<vmem>>, vector<16xi32>,
      %swap3A_226 = vector.shape_cast %swap3A_225 : vector<16xi32> to vector<16xi32>
      %swap3A_227 = vector.shape_cast %select_n3A_223 : vector<16xi32> to vector<16xi32>
      tpu.vector_store %arg14[%swap3A_224], %swap3A_227 {strides = array<i32>} : memref<128xi32, #tpu.memory_space<vmem>>, vector<16xi32>,
      %add3A_228 = arith.constant 80 : i32
      %add3A_229 = vector.broadcast %add3A_228 : i32 to vector<16xi32>
      %add3A_230 = arith.addi %broadcast_in_dim3A_168, %add3A_229 : vector<16xi32>
      %select_n3A_231 = arith.select %ge3A_204, %and3A_211, %add3A_230 : vector<16xi1>, vector<16xi32>
      %swap3A_232 = arith.index_cast %add3A_201 : i32 to index
      %swap3A_233 = tpu.vector_load %arg15[%swap3A_232] {strides = array<i32>} : memref<128xi32, #tpu.memory_space<vmem>>, vector<16xi32>,
      %swap3A_234 = vector.shape_cast %swap3A_233 : vector<16xi32> to vector<16xi32>
      %swap3A_235 = vector.shape_cast %select_n3A_231 : vector<16xi32> to vector<16xi32>
      tpu.vector_store %arg15[%swap3A_232], %swap3A_235 {strides = array<i32>} : memref<128xi32, #tpu.memory_space<vmem>>, vector<16xi32>,
      %add3A_236 = arith.constant 32 : i32
      %add3A_237 = arith.addi %mul3A_32, %add3A_236 : i32
      %ge3A_238 = arith.constant 5.000000e-01 : f32
      %ge3A_239 = vector.broadcast %ge3A_238 : f32 to vector<16xf32>
      %ge3A_240 = arith.cmpf oge, %scan3A_165#2, %ge3A_239 : vector<16xf32>
      %shift_right_logical3A_241 = arith.constant 7 : i32
      %shift_right_logical3A_242 = vector.broadcast %shift_right_logical3A_241 : i32 to vector<16xi32>
      %shift_right_logical3A_243 = arith.shrui %scan3A_165#6, %shift_right_logical3A_242 : vector<16xi32>
      %add3A_244 = arith.constant 127 : i32
      %add3A_245 = vector.broadcast %add3A_244 : i32 to vector<16xi32>
      %add3A_246 = arith.addi %broadcast_in_dim3A_168, %add3A_245 : vector<16xi32>
      %and3A_247 = arith.andi %scan3A_165#6, %add3A_246 : vector<16xi32>
      %swap3A_248 = arith.index_cast %add3A_237 : i32 to index
      %swap3A_249 = tpu.vector_load %arg12[%swap3A_248] {strides = array<i32>} : memref<128xf32, #tpu.memory_space<vmem>>, vector<16xf32>,
      %swap3A_250 = vector.shape_cast %swap3A_249 : vector<16xf32> to vector<16xf32>
      %swap3A_251 = vector.shape_cast %scan3A_165#2 : vector<16xf32> to vector<16xf32>
      tpu.vector_store %arg12[%swap3A_248], %swap3A_251 {strides = array<i32>} : memref<128xf32, #tpu.memory_space<vmem>>, vector<16xf32>,
      %swap3A_252 = arith.index_cast %add3A_237 : i32 to index
      %swap3A_253 = tpu.vector_load %arg13[%swap3A_252] {strides = array<i32>} : memref<128xi32, #tpu.memory_space<vmem>>, vector<16xi32>,
      %swap3A_254 = vector.shape_cast %swap3A_253 : vector<16xi32> to vector<16xi32>
      %swap3A_255 = vector.shape_cast %shift_right_logical3A_243 : vector<16xi32> to vector<16xi32>
      tpu.vector_store %arg13[%swap3A_252], %swap3A_255 {strides = array<i32>} : memref<128xi32, #tpu.memory_space<vmem>>, vector<16xi32>,
      %add3A_256 = arith.constant 1 : i32
      %add3A_257 = vector.broadcast %add3A_256 : i32 to vector<16xi32>
      %add3A_258 = arith.addi %broadcast_in_dim3A_168, %add3A_257 : vector<16xi32>
      %select_n3A_259 = arith.select %ge3A_240, %add3A_258, %broadcast_in_dim3A_168 : vector<16xi1>, vector<16xi32>
      %swap3A_260 = arith.index_cast %add3A_237 : i32 to index
      %swap3A_261 = tpu.vector_load %arg14[%swap3A_260] {strides = array<i32>} : memref<128xi32, #tpu.memory_space<vmem>>, vector<16xi32>,
      %swap3A_262 = vector.shape_cast %swap3A_261 : vector<16xi32> to vector<16xi32>
      %swap3A_263 = vector.shape_cast %select_n3A_259 : vector<16xi32> to vector<16xi32>
      tpu.vector_store %arg14[%swap3A_260], %swap3A_263 {strides = array<i32>} : memref<128xi32, #tpu.memory_space<vmem>>, vector<16xi32>,
      %add3A_264 = arith.constant 80 : i32
      %add3A_265 = vector.broadcast %add3A_264 : i32 to vector<16xi32>
      %add3A_266 = arith.addi %broadcast_in_dim3A_168, %add3A_265 : vector<16xi32>
      %select_n3A_267 = arith.select %ge3A_240, %and3A_247, %add3A_266 : vector<16xi1>, vector<16xi32>
      %swap3A_268 = arith.index_cast %add3A_237 : i32 to index
      %swap3A_269 = tpu.vector_load %arg15[%swap3A_268] {strides = array<i32>} : memref<128xi32, #tpu.memory_space<vmem>>, vector<16xi32>,
      %swap3A_270 = vector.shape_cast %swap3A_269 : vector<16xi32> to vector<16xi32>
      %swap3A_271 = vector.shape_cast %select_n3A_267 : vector<16xi32> to vector<16xi32>
      tpu.vector_store %arg15[%swap3A_268], %swap3A_271 {strides = array<i32>} : memref<128xi32, #tpu.memory_space<vmem>>, vector<16xi32>,
      %add3A_272 = arith.constant 48 : i32
      %add3A_273 = arith.addi %mul3A_32, %add3A_272 : i32
      %ge3A_274 = arith.constant 5.000000e-01 : f32
      %ge3A_275 = vector.broadcast %ge3A_274 : f32 to vector<16xf32>
      %ge3A_276 = arith.cmpf oge, %scan3A_165#3, %ge3A_275 : vector<16xf32>
      %shift_right_logical3A_277 = arith.constant 7 : i32
      %shift_right_logical3A_278 = vector.broadcast %shift_right_logical3A_277 : i32 to vector<16xi32>
      %shift_right_logical3A_279 = arith.shrui %scan3A_165#7, %shift_right_logical3A_278 : vector<16xi32>
      %add3A_280 = arith.constant 127 : i32
      %add3A_281 = vector.broadcast %add3A_280 : i32 to vector<16xi32>
      %add3A_282 = arith.addi %broadcast_in_dim3A_168, %add3A_281 : vector<16xi32>
      %and3A_283 = arith.andi %scan3A_165#7, %add3A_282 : vector<16xi32>
      %swap3A_284 = arith.index_cast %add3A_273 : i32 to index
      %swap3A_285 = tpu.vector_load %arg12[%swap3A_284] {strides = array<i32>} : memref<128xf32, #tpu.memory_space<vmem>>, vector<16xf32>,
      %swap3A_286 = vector.shape_cast %swap3A_285 : vector<16xf32> to vector<16xf32>
      %swap3A_287 = vector.shape_cast %scan3A_165#3 : vector<16xf32> to vector<16xf32>
      tpu.vector_store %arg12[%swap3A_284], %swap3A_287 {strides = array<i32>} : memref<128xf32, #tpu.memory_space<vmem>>, vector<16xf32>,
      %swap3A_288 = arith.index_cast %add3A_273 : i32 to index
      %swap3A_289 = tpu.vector_load %arg13[%swap3A_288] {strides = array<i32>} : memref<128xi32, #tpu.memory_space<vmem>>, vector<16xi32>,
      %swap3A_290 = vector.shape_cast %swap3A_289 : vector<16xi32> to vector<16xi32>
      %swap3A_291 = vector.shape_cast %shift_right_logical3A_279 : vector<16xi32> to vector<16xi32>
      tpu.vector_store %arg13[%swap3A_288], %swap3A_291 {strides = array<i32>} : memref<128xi32, #tpu.memory_space<vmem>>, vector<16xi32>,
      %add3A_292 = arith.constant 1 : i32
      %add3A_293 = vector.broadcast %add3A_292 : i32 to vector<16xi32>
      %add3A_294 = arith.addi %broadcast_in_dim3A_168, %add3A_293 : vector<16xi32>
      %select_n3A_295 = arith.select %ge3A_276, %add3A_294, %broadcast_in_dim3A_168 : vector<16xi1>, vector<16xi32>
      %swap3A_296 = arith.index_cast %add3A_273 : i32 to index
      %swap3A_297 = tpu.vector_load %arg14[%swap3A_296] {strides = array<i32>} : memref<128xi32, #tpu.memory_space<vmem>>, vector<16xi32>,
      %swap3A_298 = vector.shape_cast %swap3A_297 : vector<16xi32> to vector<16xi32>
      %swap3A_299 = vector.shape_cast %select_n3A_295 : vector<16xi32> to vector<16xi32>
      tpu.vector_store %arg14[%swap3A_296], %swap3A_299 {strides = array<i32>} : memref<128xi32, #tpu.memory_space<vmem>>, vector<16xi32>,
      %add3A_300 = arith.constant 80 : i32
      %add3A_301 = vector.broadcast %add3A_300 : i32 to vector<16xi32>
      %add3A_302 = arith.addi %broadcast_in_dim3A_168, %add3A_301 : vector<16xi32>
      %select_n3A_303 = arith.select %ge3A_276, %and3A_283, %add3A_302 : vector<16xi1>, vector<16xi32>
      %swap3A_304 = arith.index_cast %add3A_273 : i32 to index
      %swap3A_305 = tpu.vector_load %arg15[%swap3A_304] {strides = array<i32>} : memref<128xi32, #tpu.memory_space<vmem>>, vector<16xi32>,
      %swap3A_306 = vector.shape_cast %swap3A_305 : vector<16xi32> to vector<16xi32>
      %swap3A_307 = vector.shape_cast %select_n3A_303 : vector<16xi32> to vector<16xi32>
      tpu.vector_store %arg15[%swap3A_304], %swap3A_307 {strides = array<i32>} : memref<128xi32, #tpu.memory_space<vmem>>, vector<16xi32>,
    }
    %scan3A_13 = arith.constant 2 : i32
    %dma_start3A_14 = tpu.memref_slice %arg5[%mul3A_2] : memref<4096xf32, #tpu.memory_space<hbm>> -> memref<128xf32, #tpu.memory_space<hbm>>
    %dma_start3A_15 = tpu.memref_slice %arg5[%mul3A_2] : memref<4096xf32, #tpu.memory_space<hbm>> -> memref<128xf32, #tpu.memory_space<hbm>>
    tpu.enqueue_dma source(%arg12 : memref<128xf32, #tpu.memory_space<vmem>>) target(%dma_start3A_15 : memref<128xf32, #tpu.memory_space<hbm>>) target_semaphore(%arg16 : memref<!tpu.dma_semaphore, #tpu.memory_space<semaphore_mem>>)
    %dma_start3A_16 = tpu.memref_slice %arg6[%mul3A_2] : memref<4096xi32, #tpu.memory_space<hbm>> -> memref<128xi32, #tpu.memory_space<hbm>>
    %dma_start3A_17 = tpu.memref_slice %arg6[%mul3A_2] : memref<4096xi32, #tpu.memory_space<hbm>> -> memref<128xi32, #tpu.memory_space<hbm>>
    tpu.enqueue_dma source(%arg13 : memref<128xi32, #tpu.memory_space<vmem>>) target(%dma_start3A_17 : memref<128xi32, #tpu.memory_space<hbm>>) target_semaphore(%arg16 : memref<!tpu.dma_semaphore, #tpu.memory_space<semaphore_mem>>)
    %dma_start3A_18 = tpu.memref_slice %arg7[%mul3A_2] : memref<4096xi32, #tpu.memory_space<hbm>> -> memref<128xi32, #tpu.memory_space<hbm>>
    %dma_start3A_19 = tpu.memref_slice %arg7[%mul3A_2] : memref<4096xi32, #tpu.memory_space<hbm>> -> memref<128xi32, #tpu.memory_space<hbm>>
    tpu.enqueue_dma source(%arg14 : memref<128xi32, #tpu.memory_space<vmem>>) target(%dma_start3A_19 : memref<128xi32, #tpu.memory_space<hbm>>) target_semaphore(%arg16 : memref<!tpu.dma_semaphore, #tpu.memory_space<semaphore_mem>>)
    %dma_start3A_20 = tpu.memref_slice %arg8[%mul3A_2] : memref<4096xi32, #tpu.memory_space<hbm>> -> memref<128xi32, #tpu.memory_space<hbm>>
    %dma_start3A_21 = tpu.memref_slice %arg8[%mul3A_2] : memref<4096xi32, #tpu.memory_space<hbm>> -> memref<128xi32, #tpu.memory_space<hbm>>
    tpu.enqueue_dma source(%arg15 : memref<128xi32, #tpu.memory_space<vmem>>) target(%dma_start3A_21 : memref<128xi32, #tpu.memory_space<hbm>>) target_semaphore(%arg16 : memref<!tpu.dma_semaphore, #tpu.memory_space<semaphore_mem>>)
    %dma_wait3A_22 = tpu.memref_slice %arg5[%mul3A_2] : memref<4096xf32, #tpu.memory_space<hbm>> -> memref<128xf32, #tpu.memory_space<hbm>>
    %dma_wait3A_23 = tpu.memref_slice %arg5[%mul3A_2] : memref<4096xf32, #tpu.memory_space<hbm>> -> memref<128xf32, #tpu.memory_space<hbm>>
    tpu.wait_dma2 semaphore(%arg16 : memref<!tpu.dma_semaphore, #tpu.memory_space<semaphore_mem>>) src(%arg12 : memref<128xf32, #tpu.memory_space<vmem>>) dst(%dma_wait3A_23 : memref<128xf32, #tpu.memory_space<hbm>>)
    %dma_wait3A_24 = tpu.memref_slice %arg6[%mul3A_2] : memref<4096xi32, #tpu.memory_space<hbm>> -> memref<128xi32, #tpu.memory_space<hbm>>
    %dma_wait3A_25 = tpu.memref_slice %arg6[%mul3A_2] : memref<4096xi32, #tpu.memory_space<hbm>> -> memref<128xi32, #tpu.memory_space<hbm>>
    tpu.wait_dma2 semaphore(%arg16 : memref<!tpu.dma_semaphore, #tpu.memory_space<semaphore_mem>>) src(%arg13 : memref<128xi32, #tpu.memory_space<vmem>>) dst(%dma_wait3A_25 : memref<128xi32, #tpu.memory_space<hbm>>)
    %dma_wait3A_26 = tpu.memref_slice %arg7[%mul3A_2] : memref<4096xi32, #tpu.memory_space<hbm>> -> memref<128xi32, #tpu.memory_space<hbm>>
    %dma_wait3A_27 = tpu.memref_slice %arg7[%mul3A_2] : memref<4096xi32, #tpu.memory_space<hbm>> -> memref<128xi32, #tpu.memory_space<hbm>>
    tpu.wait_dma2 semaphore(%arg16 : memref<!tpu.dma_semaphore, #tpu.memory_space<semaphore_mem>>) src(%arg14 : memref<128xi32, #tpu.memory_space<vmem>>) dst(%dma_wait3A_27 : memref<128xi32, #tpu.memory_space<hbm>>)
    %dma_wait3A_28 = tpu.memref_slice %arg8[%mul3A_2] : memref<4096xi32, #tpu.memory_space<hbm>> -> memref<128xi32, #tpu.memory_space<hbm>>
    %dma_wait3A_29 = tpu.memref_slice %arg8[%mul3A_2] : memref<4096xi32, #tpu.memory_space<hbm>> -> memref<128xi32, #tpu.memory_space<hbm>>
    tpu.wait_dma2 semaphore(%arg16 : memref<!tpu.dma_semaphore, #tpu.memory_space<semaphore_mem>>) src(%arg15 : memref<128xi32, #tpu.memory_space<vmem>>) dst(%dma_wait3A_29 : memref<128xi32, #tpu.memory_space<hbm>>)
    return
  }
}

module attributes {stable_mosaic.version = 14 : i64} {
  func.func @_tc_body(%arg0: i32, %arg1: memref<5x100xf32, #tpu.memory_space<smem>>, %arg2: memref<100xi32, #tpu.memory_space<smem>>, %arg3: memref<4x4096xf32, #tpu.memory_space<vmem>>, %arg4: memref<4096xf32, #tpu.memory_space<vmem>>, %arg5: memref<4096xi32, #tpu.memory_space<vmem>>, %arg6: memref<4096xi32, #tpu.memory_space<vmem>>, %arg7: memref<4096xi32, #tpu.memory_space<vmem>>) attributes {dimension_semantics = [#tpu.dimension_semantics<arbitrary>], iteration_bounds = array<i64: 4>, scalar_prefetch = 0 : i64, scratch_operands = 0 : i64, tpu.core_type = #tpu.core_type<tc>, window_params = [{transform_indices = @transform_0, window_bounds = array<i64: 5, 100>}, {transform_indices = @transform_1, window_bounds = array<i64: 100>}, {transform_indices = @transform_2, window_bounds = array<i64: 4, 4096>}, {transform_indices = @transform_3, window_bounds = array<i64: 4096>}, {transform_indices = @transform_4, window_bounds = array<i64: 4096>}, {transform_indices = @transform_5, window_bounds = array<i64: 4096>}, {transform_indices = @transform_6, window_bounds = array<i64: 4096>}]} {
    %get3A = arith.constant 0 : index
    %get3A_0 = arith.constant 0 : index
    %get3A_1 = vector.load %arg3[%get3A, %get3A_0] : memref<4x4096xf32, #tpu.memory_space<vmem>>, vector<1x4096xf32>
    %get3A_2 = vector.shape_cast %get3A_1 : vector<1x4096xf32> to vector<4096xf32>
    %get3A_3 = arith.constant 1 : index
    %get3A_4 = arith.constant 0 : index
    %get3A_5 = vector.load %arg3[%get3A_3, %get3A_4] : memref<4x4096xf32, #tpu.memory_space<vmem>>, vector<1x4096xf32>
    %get3A_6 = vector.shape_cast %get3A_5 : vector<1x4096xf32> to vector<4096xf32>
    %get3A_7 = arith.constant 2 : index
    %get3A_8 = arith.constant 0 : index
    %get3A_9 = vector.load %arg3[%get3A_7, %get3A_8] : memref<4x4096xf32, #tpu.memory_space<vmem>>, vector<1x4096xf32>
    %get3A_10 = vector.shape_cast %get3A_9 : vector<1x4096xf32> to vector<4096xf32>
    %get3A_11 = arith.constant 3 : index
    %get3A_12 = arith.constant 0 : index
    %get3A_13 = vector.load %arg3[%get3A_11, %get3A_12] : memref<4x4096xf32, #tpu.memory_space<vmem>>, vector<1x4096xf32>
    %get3A_14 = vector.shape_cast %get3A_13 : vector<1x4096xf32> to vector<4096xf32>
    %sub3A = arith.subf %get3A_10, %get3A_2 : vector<4096xf32>
    %sub3A_15 = arith.subf %get3A_14, %get3A_6 : vector<4096xf32>
    %mul3A = arith.mulf %sub3A, %sub3A_15 : vector<4096xf32>
    %broadcast_in_dim3A = arith.constant 0.000000e+00 : f32
    %broadcast_in_dim3A_16 = vector.broadcast %broadcast_in_dim3A : f32 to vector<4096xf32>
    %get3A_17 = arith.constant 0 : index
    %get3A_18 = memref.load %arg2[%get3A_17] : memref<100xi32, #tpu.memory_space<smem>>
    %broadcast_in_dim3A_19 = vector.broadcast %get3A_18 : i32 to vector<4096xi32>
    %scan3A = arith.constant 0 : i32
    %scan3A_20 = arith.constant 100 : i32
    %scan3A_21 = arith.addi %scan3A, %scan3A_20 : i32
    %scan3A_22 = arith.constant 1 : i32
    %scan3A_23:2 = scf.for %scan3A_39 = %scan3A to %scan3A_21 step %scan3A_22 iter_args(%scan3A_40 = %broadcast_in_dim3A_16, %scan3A_41 = %broadcast_in_dim3A_19) -> (vector<4096xf32>, vector<4096xi32>)  : i32 {
      %get3A_42 = arith.constant 0 : index
      %get3A_43 = arith.index_cast %scan3A_39 : i32 to index
      %get3A_44 = memref.load %arg1[%get3A_42, %get3A_43] : memref<5x100xf32, #tpu.memory_space<smem>>
      %get3A_45 = arith.constant 1 : index
      %get3A_46 = arith.index_cast %scan3A_39 : i32 to index
      %get3A_47 = memref.load %arg1[%get3A_45, %get3A_46] : memref<5x100xf32, #tpu.memory_space<smem>>
      %get3A_48 = arith.constant 2 : index
      %get3A_49 = arith.index_cast %scan3A_39 : i32 to index
      %get3A_50 = memref.load %arg1[%get3A_48, %get3A_49] : memref<5x100xf32, #tpu.memory_space<smem>>
      %get3A_51 = arith.constant 3 : index
      %get3A_52 = arith.index_cast %scan3A_39 : i32 to index
      %get3A_53 = memref.load %arg1[%get3A_51, %get3A_52] : memref<5x100xf32, #tpu.memory_space<smem>>
      %get3A_54 = arith.constant 4 : index
      %get3A_55 = arith.index_cast %scan3A_39 : i32 to index
      %get3A_56 = memref.load %arg1[%get3A_54, %get3A_55] : memref<5x100xf32, #tpu.memory_space<smem>>
      %get3A_57 = arith.index_cast %scan3A_39 : i32 to index
      %get3A_58 = memref.load %arg2[%get3A_57] : memref<100xi32, #tpu.memory_space<smem>>
      %min3A = vector.broadcast %get3A_50 : f32 to vector<4096xf32>
      %min3A_59 = arith.minimumf %get3A_10, %min3A : vector<4096xf32>
      %max3A = vector.broadcast %get3A_44 : f32 to vector<4096xf32>
      %max3A_60 = arith.maximumf %get3A_2, %max3A : vector<4096xf32>
      %sub3A_61 = arith.subf %min3A_59, %max3A_60 : vector<4096xf32>
      %max3A_62 = arith.constant 0.000000e+00 : f32
      %max3A_63 = vector.broadcast %max3A_62 : f32 to vector<4096xf32>
      %max3A_64 = arith.maximumf %sub3A_61, %max3A_63 : vector<4096xf32>
      %min3A_65 = vector.broadcast %get3A_53 : f32 to vector<4096xf32>
      %min3A_66 = arith.minimumf %get3A_14, %min3A_65 : vector<4096xf32>
      %max3A_67 = vector.broadcast %get3A_47 : f32 to vector<4096xf32>
      %max3A_68 = arith.maximumf %get3A_6, %max3A_67 : vector<4096xf32>
      %sub3A_69 = arith.subf %min3A_66, %max3A_68 : vector<4096xf32>
      %mul3A_70 = arith.mulf %max3A_64, %sub3A_69 : vector<4096xf32>
      %add3A = vector.broadcast %get3A_56 : f32 to vector<4096xf32>
      %add3A_71 = arith.addf %mul3A, %add3A : vector<4096xf32>
      %sub3A_72 = arith.subf %add3A_71, %mul3A_70 : vector<4096xf32>
      %div3A = arith.divf %mul3A_70, %sub3A_72 : vector<4096xf32>
      %gt3A = arith.cmpf ogt, %div3A, %scan3A_40 : vector<4096xf32>
      %select_n3A_73 = arith.select %gt3A, %div3A, %scan3A_40 : vector<4096xi1>, vector<4096xf32>
      %broadcast_in_dim3A_74 = vector.broadcast %get3A_58 : i32 to vector<4096xi32>
      %select_n3A_75 = arith.select %gt3A, %broadcast_in_dim3A_74, %scan3A_41 : vector<4096xi1>, vector<4096xi32>
      scf.yield %select_n3A_73, %select_n3A_75 : vector<4096xf32>, vector<4096xi32>
    }
    %scan3A_24 = arith.constant 100 : i32
    %ge3A = arith.constant 5.000000e-01 : f32
    %ge3A_25 = vector.broadcast %ge3A : f32 to vector<4096xf32>
    %ge3A_26 = arith.cmpf oge, %scan3A_23#0, %ge3A_25 : vector<4096xf32>
    %shift_right_logical3A = arith.constant 7 : i32
    %shift_right_logical3A_27 = vector.broadcast %shift_right_logical3A : i32 to vector<4096xi32>
    %shift_right_logical3A_28 = arith.shrui %scan3A_23#1, %shift_right_logical3A_27 : vector<4096xi32>
    %and3A = arith.constant 127 : i32
    %and3A_29 = vector.broadcast %and3A : i32 to vector<4096xi32>
    %and3A_30 = arith.andi %scan3A_23#1, %and3A_29 : vector<4096xi32>
    %swap3A = arith.constant 0 : index
    %swap3A_31 = vector.load %arg4[%swap3A] : memref<4096xf32, #tpu.memory_space<vmem>>, vector<4096xf32>
    tpu.vector_store %arg4[%swap3A], %scan3A_23#0 {strides = array<i32>} : memref<4096xf32, #tpu.memory_space<vmem>>, vector<4096xf32>,
    %swap3A_32 = arith.constant 0 : index
    %swap3A_33 = vector.load %arg5[%swap3A_32] : memref<4096xi32, #tpu.memory_space<vmem>>, vector<4096xi32>
    tpu.vector_store %arg5[%swap3A_32], %shift_right_logical3A_28 {strides = array<i32>} : memref<4096xi32, #tpu.memory_space<vmem>>, vector<4096xi32>,
    %convert_element_type3A = arith.extui %ge3A_26 : vector<4096xi1> to vector<4096xi32>
    %swap3A_34 = arith.constant 0 : index
    %swap3A_35 = vector.load %arg6[%swap3A_34] : memref<4096xi32, #tpu.memory_space<vmem>>, vector<4096xi32>
    tpu.vector_store %arg6[%swap3A_34], %convert_element_type3A {strides = array<i32>} : memref<4096xi32, #tpu.memory_space<vmem>>, vector<4096xi32>,
    %jit3A = arith.constant 80 : i32
    %broadcast_in_dim3A_36 = vector.broadcast %jit3A : i32 to vector<4096xi32>
    %select_n3A = arith.select %ge3A_26, %and3A_30, %broadcast_in_dim3A_36 : vector<4096xi1>, vector<4096xi32>
    %swap3A_37 = arith.constant 0 : index
    %swap3A_38 = vector.load %arg7[%swap3A_37] : memref<4096xi32, #tpu.memory_space<vmem>>, vector<4096xi32>
    tpu.vector_store %arg7[%swap3A_37], %select_n3A {strides = array<i32>} : memref<4096xi32, #tpu.memory_space<vmem>>, vector<4096xi32>,
    return
  }
  func.func @transform_0(%arg0: i32) -> (i32, i32) {
    %c0_i32 = arith.constant 0 : i32
    %c0_i32_0 = arith.constant 0 : i32
    %c0_i32_1 = arith.constant 0 : i32
    return %c0_i32, %c0_i32_0 : i32, i32
  }
  func.func @transform_1(%arg0: i32) -> i32 {
    %c0_i32 = arith.constant 0 : i32
    %c0_i32_0 = arith.constant 0 : i32
    return %c0_i32 : i32
  }
  func.func @transform_2(%arg0: i32) -> (i32, i32) {
    %add3A = arith.constant 1 : i32
    %add3A_0 = arith.addi %add3A, %arg0 : i32
    %c0_i32 = arith.constant 0 : i32
    %c0_i32_1 = arith.constant 0 : i32
    return %c0_i32, %add3A_0 : i32, i32
  }
  func.func @transform_3(%arg0: i32) -> i32 {
    %c0_i32 = arith.constant 0 : i32
    return %arg0 : i32
  }
  func.func @transform_4(%arg0: i32) -> i32 {
    %c0_i32 = arith.constant 0 : i32
    return %arg0 : i32
  }
  func.func @transform_5(%arg0: i32) -> i32 {
    %c0_i32 = arith.constant 0 : i32
    return %arg0 : i32
  }
  func.func @transform_6(%arg0: i32) -> i32 {
    %c0_i32 = arith.constant 0 : i32
    return %arg0 : i32
  }
}

</mosaic_0001>

<sc_bundles>
// kernel: kernel.4.cloned.1.call-start
scs
__scs_entry_jumppad:
0x0: {  	(pc) =	sbr.rel $0x88, $3  }
0x1: {  	(tag) =	ssettag $0x0;
	lr =	simm.s32 $0x1  }
0x2: {  	[smem:$0x3F9E] =	sst lr;
	_ =	strace $0xD0000000  }
0x3: {  	_ = 	snop  }
0x4: {  	_ = 	snop  }
0x5: {  	_ = 	snop  }
0x6: {  	_ = 	snop  }
0x7: {  	_ = 	snop  }
__scs_overlays_trampoline_lowered:
0x8: {  	[smem:$0x3FAD] =	sst s0  }
0x9: {  	[smem:$0x3FAE] =	sst s1  }
0xa: {  	[smem:$0x3FAF] =	sst s2  }
0xb: {  	[smem:$0x3FB0] =	sst s3  }
0xc: {  	[smem:$0x3FB1] =	sst s4  }
0xd: {  	[smem:$0x3FB2] =	sst s5  }
0xe: {  	[smem:$0x3FB3] =	sst s6  }
0xf: {  	[smem:$0x3FB4] =	sst s7  }
0x10: {  	[smem:$0x3FB5] =	sst s8  }
0x11: {  	[smem:$0x3FB6] =	sst s9;
	s0 =	simm.s32 @!p0 $0x0  }
0x12: {  	s1 =	sld [smem:$0x3F9C];
	s0 =	simm.s32 @p0 $0x1  }
0x13: {  	[smem:$0x3FB7] =	sst s0;
	s0 =	simm.s32 @!p1 $0x0  }
0x14: {  	s2 =	sld [smem:$0x3F9B];
	s0 =	simm.s32 @p1 $0x1  }
0x15: {  	[smem:$0x3FB8] =	sst s0;
	s0 =	simm.s32 @!p2 $0x0  }
0x16: {  	s3 =	sld [smem:$0x3FDB];
	s0 =	simm.s32 @p2 $0x1  }
0x17: {  	s4 =	simm.s32 $0x1BF5;
	[smem:$0x3FBA] =	sst s0  }
0x18: {  	s0 =	sld [smem:$0x3F9D];
	_ =	swait.ge [sflag:s4], $0x0  }
0x19: {  	s7 =	sld [smem:$0x3F9E]  }
0x1a: {  	s8 =	sadd.s32 $0xFFFFE003, lr  }
0x1b: {  	s9 =	sadd.s32 $0xFFFFFEF7, lr;
	s5 =	simm.s32 $0xFFFFFFFF;
	p2 =	slt.u32 s8, $0xFFFFF086  }
0x1c: {  	p1 =	slt.u32 s9, $0xF7A;
	s5 =	simm.s32 @!p2 $0x0  }
0x1d: {  	s5 =	simm.s32 @p1 $0x1;
	p0 =	seq.s32 s7, s2  }
0x1e: {  	s7 =	smul.u32 @!p0 $0xF7A, s2;
	p2 =	seq.s32 @!p0 s5, $0x0  }
0x1f: {  	s9 =	smul.u32 $0xF7A, s1;
	s8 =	simm.s32 @!p0 $0x1BF5;
	p2 =	por !p2, p0  }
0x20: {  	[sflag:s8] =	ssyncset.s32 @!p0 $0xFFFFF086;
	s6 =	sadd.s32 @!p0 s3, s7;
	s7 =	simm.s32 @!p0 $0x108  }
0x21: {  	s3 =	sadd.s32 s3, s9;
	s6 =	sadd.s32 @!p0 $0x88, s6;
	s7 =	simm.s32 @p2 $0x1082  }
0x22: {  	[simem:s7], [sflag:s8] =	dma.local @!p0 [hbm:s6], $0xF7A  }
0x23: {  	s9 =	sor.u32 $0xD0000000, s2;
	s6 =	simm.s32 $0x108;
	_ =	swait.ge @!p0 [sflag:s8], $0x0  }
0x24: {  	s3 =	sadd.s32 $0x88, s3;
	s6 =	simm.s32 @!p1 $0x1082;
	[sflag:s4] =	ssyncset.s32 $0xFFFFF086  }
0x25: {  	[simem:s6], [sflag:s4] =	dma.local [hbm:s3], $0xF7A  }
0x26: {  	[smem:$0x3F9E] =	sst s1;
	(tag) =	ssettag s2;
	_ =	strace s9  }
0x27: {  	s1 =	sld [smem:$0x3FAE]  }
0x28: {  	s2 =	sld [smem:$0x3FAF]  }
0x29: {  	s4 =	sld [smem:$0x3FB1]  }
0x2a: {  	p0 =	seq.s32 s5, $0x0;
	s5 =	sld [smem:$0x3FB2]  }
0x2b: {  	s6 =	sld [smem:$0x3FB3]  }
0x2c: {  	s7 =	sld [smem:$0x3FB4]  }
0x2d: {  	s3 =	simm.s32 $0x108;
	s8 =	sld [smem:$0x3FB5]  }
0x2e: {  	s3 =	simm.s32 @!p0 $0x1082;
	s9 =	sld [smem:$0x3FB6]  }
0x2f: {  	lr =	sadd.s32 s0, s3;
	s0 =	sld [smem:$0x3FAD]  }
0x30: {  	s3 =	sld [smem:$0x3FB0]  }
0x31: {  	[smem:$0x3FB9] =	sst s10  }
0x32: {  	s10 =	sld [smem:$0x3FB7];
	_ =	sdelay $0x3  }
0x33: {  	p0 =	seq.s32 s10, $0x1;
	s10 =	sld [smem:$0x3FB9];
	_ =	sdelay $0x3  }
0x34: {  	[smem:$0x3FB9] =	sst s10  }
0x35: {  	s10 =	sld [smem:$0x3FB8];
	_ =	sdelay $0x3  }
0x36: {  	p1 =	seq.s32 s10, $0x1;
	s10 =	sld [smem:$0x3FB9];
	_ =	sdelay $0x3  }
0x37: {  	[smem:$0x3FB9] =	sst s10  }
0x38: {  	s10 =	sld [smem:$0x3FBA]  }
0x39: {  	_ = 	snop;
	(pc) =	sbr.ind lr, $3  }
0x3a: {  	_ = 	snop  }
0x3b: {  	_ = 	snop  }
0x3c: {  	p2 =	seq.s32 s10, $0x1;
	s10 =	sld [smem:$0x3FB9]  }
0x3d: {  	_ =	shalt  }
0x3e: {  	_ =	shalt  }
0x3f: {  	_ =	shalt  }
0x40: {  	_ =	shalt  }
0x41: {  	_ =	shalt  }
0x42: {  	_ =	shalt  }
0x43: {  	_ =	shalt  }
0x44: {  	_ =	shalt  }
0x45: {  	_ =	shalt  }
0x46: {  	_ =	shalt  }
0x47: {  	_ =	shalt  }
0x48: {  	_ =	shalt  }
0x49: {  	_ =	shalt  }
0x4a: {  	_ =	shalt  }
0x4b: {  	_ =	shalt  }
0x4c: {  	_ =	shalt  }
0x4d: {  	_ =	shalt  }
0x4e: {  	_ =	shalt  }
0x4f: {  	_ =	shalt  }
0x50: {  	_ =	shalt  }
0x51: {  	_ =	shalt  }
0x52: {  	_ =	shalt  }
0x53: {  	_ =	shalt  }
0x54: {  	_ =	shalt  }
0x55: {  	_ =	shalt  }
0x56: {  	_ =	shalt  }
0x57: {  	_ =	shalt  }
0x58: {  	_ =	shalt  }
0x59: {  	_ =	shalt  }
0x5a: {  	_ =	shalt  }
0x5b: {  	_ =	shalt  }
0x5c: {  	_ =	shalt  }
0x5d: {  	_ =	shalt  }
0x5e: {  	_ =	shalt  }
0x5f: {  	_ =	shalt  }
0x60: {  	_ =	shalt  }
0x61: {  	_ =	shalt  }
0x62: {  	_ =	shalt  }
0x63: {  	_ =	shalt  }
0x64: {  	_ =	shalt  }
0x65: {  	_ =	shalt  }
0x66: {  	_ =	shalt  }
0x67: {  	_ =	shalt  }
0x68: {  	_ =	shalt  }
0x69: {  	_ =	shalt  }
0x6a: {  	_ =	shalt  }
0x6b: {  	_ =	shalt  }
0x6c: {  	_ =	shalt  }
0x6d: {  	_ =	shalt  }
0x6e: {  	_ =	shalt  }
0x6f: {  	_ =	shalt  }
0x70: {  	_ =	shalt  }
0x71: {  	_ =	shalt  }
0x72: {  	_ =	shalt  }
0x73: {  	_ =	shalt  }
0x74: {  	_ =	shalt  }
0x75: {  	_ =	shalt  }
0x76: {  	_ =	shalt  }
0x77: {  	_ =	shalt  }
0x78: {  	_ =	shalt  }
0x79: {  	_ =	shalt  }
0x7a: {  	_ =	shalt  }
0x7b: {  	_ =	shalt  }
0x7c: {  	_ =	shalt  }
0x7d: {  	_ =	shalt  }
0x7e: {  	_ =	shalt  }
0x7f: {  	_ =	shalt  }
0x80: {  	_ =	shalt  }
0x81: {  	_ =	shalt  }
0x82: {  	_ =	shalt  }
0x83: {  	_ =	shalt  }
0x84: {  	_ =	shalt  }
0x85: {  	_ =	shalt  }
0x86: {  	_ =	shalt  }
0x87: {  	_ =	shalt  }
.Lfunc_end0:
.L_simem_size_0:
called_computation_lowered:
.L_overlay_start_0:
0x88: {  	s2 =	sld [smem:$0x3FD9]  }
0x89: {  	s3 =	sld [smem:$0x3FFE];
	_ =	sdelay $0x1  }
0x8a: {  	s1 =	srdreg.scid  }
0x8b: {  	s0 =	sand.u32 $0x1, s1  }
0x8c: {  	s14 =	sshll.u32 s0, $0xA;
	s2 =	sadd.s32 s3, s2  }
0x8d: {  	s2 =	sadd.s32 s2, s14  }
0x8e: {  	[smem:$0x3FC5] =	sst s2  }
0x8f: {  	_ = 	snop  }
0x90: {  	s2 =	sld [smem:$0x3FD0];
	_ =	sdelay $0x2  }
0x91: {  	s4 =	simm.s32 $0xA;
	s5 =	simm.s32 $0x10;
	s15 =	sld [smem:$0x3FC9]  }
0x92: {  	[smem:s5], [sflag:s4] =	dma.local [hbm:s2], $0x1  }
0x93: {  	_ =	swait.eq [sflag:s4], $0x1  }
0x94: {  	s16 =	sld [smem:$0x10]  }
0x95: {  	s17 =	sld [smem:$0x11];
	[sflag:s4] =	ssyncset.done $0x0  }
0x96: {  	s6 =	sld [smem:$0x12];
	[sflag:s4] =	ssyncadd.s32 $0xFFFFFFFF  }
0x97: {  	s18 =	sld [smem:$0x13];
	(tm) =	ssettm $0x1  }
0x98: {  	s7 =	sld [smem:$0x3FFB];
	_ =	sdelay $0x3  }
0x99: {  	_ =	strace s7  }
0x9a: {  	s7 =	sld [smem:$0x3FFC];
	_ =	sdelay $0x3  }
0x9b: {  	_ =	strace s7  }
0x9c: {  	s7 =	sld [smem:$0x3FFD];
	_ =	sdelay $0x3  }
0x9d: {  	_ =	strace s7  }
0x9e: {  	_ =	strace $0x8FFFFFFF  }
0x9f: {  	s19 =	sld [smem:$0x3FDB];
	_ =	sdelay $0x1  }
0xa0: {  	s8 =	simm.s32 $_scs_section_size  }
0xa1: {  	s9 =	simm.s32 $_size__tile_overlayer_lowered;
	s10 =	simm.s32 $_tile_overlayer_lowered  }
0xa2: {  	s22 =	simm.s32 $0x1BFF;
	s21 =	sshll.u32 s10, $0x1;
	s7 =	sadd.s32 s8, s19  }
0xa3: {  	s11 =	simm.s32 $0x0;
	s20 =	sshll.u32 s9, $0x1;
	s9 =	sadd.s32 s21, s7  }
0xa4: {  	[timem:s11], [sflag:s22] =	dma.local [hbm:s9], s20  }
0xa5: {  	_ =	swait.ge [sflag:s22], s20  }
0xa6: {  	s8 =	ssub.s32 $0x0, s20;
	[sflag:s22] =	ssyncset.done $0x0  }
0xa7: {  	[sflag:s22] =	ssyncadd.s32 s8;
	_ =	sdelay $0x1  }
0xa8: {  	s23 =	simm.s32 $0x1B8B  }
0xa9: {  	_ =	swait.ge [sflag:s23], $0x1  }
0xaa: {  	[sflag:s23] =	ssyncset.done $0x0  }
0xab: {  	s25 =	simm.s32 $0x1B8E;
	s24 =	sld [smem:$0x3FFE];
	[sflag:s23] =	ssyncadd.s32 $0xFFFFFFFF  }
0xac: {  	s26 =	simm.s32 $execute0_lowered;
	[smem:$0x3FD2] =	sst s25  }
0xad: {  	s9 =	sshll.u32 s26, $0x1;
	_ =	strace $0x80000046;
	[dreg:$0x1] =	wrdreg $0xFFFFFFFF  }
0xae: {  	s28 =	simm.s32 $_size_execute0_lowered;
	s7 =	sadd.s32 s7, s9;
	[dreg:$0x0] =	wrdreg $0x0  }
0xaf: {  	s9 =	sshll.u32 s28, $0x1;
	[dreg:$0x2] =	wrdreg s7  }
0xb0: {  	[dreg:$0x3] =	wrdreg s9  }
0xb1: {  	[dreg:$0x4] =	wrdreg $0xC0  }
0xb2: {  	_ =	task [dreg:s11], $0x5FFFF  }
0xb3: {  	[dreg:$0x1] =	wrdreg $0xFFFFFFFF  }
0xb4: {  	[dreg:$0x0] =	wrdreg $0x60  }
0xb5: {  	[dreg:$0x2] =	wrdreg s15  }
0xb6: {  	[dreg:$0x3] =	wrdreg s24  }
0xb7: {  	[dreg:$0x4] =	wrdreg s18  }
0xb8: {  	[dreg:$0x5] =	wrdreg s6  }
0xb9: {  	[dreg:$0x6] =	wrdreg s17  }
0xba: {  	[dreg:$0x7] =	wrdreg s16  }
0xbb: {  	[dreg:$0x8] =	wrdreg $0x9  }
0xbc: {  	_ =	task.clear_ibuf [dreg:s11], $0x9FFFF;
	_ =	strace $0x90000046  }
0xbd: {  	s29 =	simm.s32 $0x9;
	_ =	strace $0x80000048  }
0xbe: {  	_ =	swait.ge [sflag:s29], $0x1  }
0xbf: {  	[sflag:s29] =	ssyncadd.s32 $0xFFFFFFFF  }
0xc0: {  	_ =	strace $0x90000048  }
0xc1: {  	_ =	sfence  }
0xc2: {  	s30 =	sld [smem:$0x0];
	_ =	sdelay $0x2  }
0xc3: {  	s31 =	sshll.u32 s1, $0xD;
	s1 =	sshrl.u32 s1, $0x2  }
0xc4: {  	s3 =	sand.u32 $0x4000, s31;
	s1 =	sadd.s32 s1, s30  }
0xc5: {  	s0 =	sor.u32 s3, s0;
	s1 =	sshll.u32 s1, $0x11  }
0xc6: {  	s0 =	sor.u32 s1, s0  }
0xc7: {  	s0 =	sadd.s32 $0x8F2B, s0  }
0xc8: {  	[sflag:s0] =	ssyncadd.remote.s32 $0x1  }
0xc9: {  	_ =	sfence.sel $0xFFFF  }
0xca: {  	[dreg:$0x0] =	wrdreg $0xFFFFFFFF;
	(pc) =	sbr.abs _section_cstart, $3  }
0xcb: {  	[dreg:$0x1] =	wrdreg $0xFFFFFFFF  }
0xcc: {  	_ =	task.clear_ibuf [dreg:s11], $0x2FFFF;
	_ =	strace $0x9FFFFFFF  }
0xcd: {  	(tm) =	ssettm $0x7FFFFFFF  }
tec
execute0_lowered:
.L_overlay_start_1:
0x0: {  	(tag) =	ssettag $0x1  }
0x1: {  	s0 =	rddreg [dreg:$0x0]  }
0x2: {  	s14 =	rddreg [dreg:$0x1]  }
0x3: {  	s1 =	rddreg [dreg:$0x2]  }
0x4: {  	s6 =	rddreg [dreg:$0x3]  }
0x5: {  	s7 =	rddreg [dreg:$0x4]  }
0x6: {  	s9 =	rddreg [dreg:$0x5];
	s3 =	simm.s32 $0x0  }
0x7: {  	s4 =	srdreg.scid;
	s2 =	stileid.u32;
	s15 =	simm.s32 $0x200  }
0x8: {  	s16 =	simm.s32 $0x3600;
	s17 =	simm.s32 $0x6A00;
	s18 =	simm.s32 $0x9E00  }
0x9: {  	s19 =	simm.s32 $0xD200;
	s20 =	simm.s32 $0x10600;
	s21 =	simm.s32 $0x1  }
0xa: {  	s22 =	simm.s32 $0x13A00;
	s23 =	simm.s32 $0x13A80;
	s24 =	simm.s32 $0x13B00  }
0xb: {  	s25 =	simm.s32 $0x13B80;
	s26 =	simm.s32 $0x0;
	[smem:$0x7FF] =	sst s3  }
0xc: {  	s5 =	sand.u32 $0x1, s4;
	s8 =	sshll.u32 s2, $0x1;
	s4 =	sadd.s32 $0x1800, s14  }
0xd: {  	s13 =	sadd.s32 $0x2B80, s14;
	s8 =	sor.u32 s5, s8;
	s5 =	ssub.s32 $0x2, s5  }
0xe: {  	_ =	strace $0x80000047;
	s10 =	sshll.u32 s8, $0x4;
	s11 =	sshrl.u32 s5, $0x1  }
0xf: {  	s8 =	sshll.u32 s8, $0x6;
	s12 =	sadd.s32 s10, s14;
	s11 =	ssub.s32 s5, s11  }
0x10: {  	s5 =	sadd.s32 s0, s8;
	s6 =	sadd.s32 s6, s10;
	s7 =	sadd.s32 s7, s10  }
0x11: {  	s9 =	sadd.s32 s9, s10;
	s8 =	sadd.s32 $0x3A00, s12;
	s10 =	smax.u32 s11, $0x1  }
0x12: {  	v0 =	vimm.s32 $0x0;
	s11 =	sadd.s32 $0x1E80, s14;
	s12 =	sadd.s32 $0x2500, s14;
	s14 =	sadd.s32 $0x3200, s14  }
.LBB2_1:
0x13: {  	[tilespmem:s3], [sflag:$0x1] =	stream.linear.gather [hbm4b:s5+s3], $0x200, $0x38;
	[tilespmem:$0x13C00] =	vst v63  }
0x14: {  	_ = 	snop  }
0x15: {  	[tilespmem:s15], [sflag:$0x1] =	stream.linear.gather [hbm4b:s4+s3], $0x3200, $0x38;
	[tilespmem:$0x13C00] =	vst v63  }
0x16: {  	_ = 	snop  }
0x17: {  	[tilespmem:s16], [sflag:$0x1] =	stream.linear.gather [hbm4b:s11+s3], $0x3200, $0x38;
	[tilespmem:$0x13C00] =	vst v63  }
0x18: {  	_ = 	snop  }
0x19: {  	[tilespmem:s17], [sflag:$0x1] =	stream.linear.gather [hbm4b:s12+s3], $0x3200, $0x38;
	[tilespmem:$0x13C00] =	vst v63  }
0x1a: {  	_ = 	snop  }
0x1b: {  	[tilespmem:s18], [sflag:$0x1] =	stream.linear.gather [hbm4b:s13+s3], $0x3200, $0x38;
	[tilespmem:$0x13C00] =	vst v63  }
0x1c: {  	_ = 	snop  }
0x1d: {  	[tilespmem:s19], [sflag:$0x1] =	stream.linear.gather [hbm4b:s14+s3], $0x3200, $0x38;
	[tilespmem:$0x13C00] =	vst v63  }
0x1e: {  	_ = 	snop  }
0x1f: {  	[tilespmem:s20], [sflag:$0x1] =	stream.linear.gather [hbm4b:s1+s3], $0x3200, $0x38;
	[tilespmem:$0x13C00] =	vst v63  }
0x20: {  	_ =	swait.ge [sflag:s21], $0x200  }
0x21: {  	[sflag:s21] =	ssyncset.done $0x0  }
0x22: {  	[sflag:s21] =	ssyncadd.s32 $0xFFFFFE00  }
0x23: {  	_ =	swait.ge [sflag:s21], $0xFA00  }
0x24: {  	[sflag:s21] =	ssyncset.done $0x0  }
0x25: {  	[sflag:s21] =	ssyncadd.s32 $0xFFFF0600  }
0x26: {  	_ =	swait.ge [sflag:s21], $0x3200  }
0x27: {  	[sflag:s21] =	ssyncset.done $0x0  }
0x28: {  	p1 =	por $0x1, $0x1;
	s31 =	simm.s32 $0x0;
	[sflag:s21] =	ssyncadd.s32 $0xFFFFCE00  }
.LBB2_2:
0x29: {  	v2 =	vld [tilespmem:s31+$0x0]  }
0x2a: {  	v5 =	vld [tilespmem:s31+$0x80]  }
0x2b: {  	v6 =	vld [tilespmem:s31+$0x90]  }
0x2c: {  	v7 =	vld [tilespmem:s31+$0xA0]  }
0x2d: {  	v8 =	vld [tilespmem:s31+$0xB0]  }
0x2e: {  	v10 =	vld [tilespmem:s31+$0x100]  }
0x2f: {  	v11 =	vld [tilespmem:s31+$0x110]  }
0x30: {  	v12 =	vld [tilespmem:s31+$0x120]  }
0x31: {  	v13 =	vld [tilespmem:s31+$0x130]  }
0x32: {  	v14 =	vld [tilespmem:s31+$0x180]  }
0x33: {  	v15 =	vld [tilespmem:s31+$0x190]  }
0x34: {  	v16 =	vld [tilespmem:s31+$0x1A0]  }
0x35: {  	s30 =	sor.u32 $0x10, s31;
	v17 =	vld [tilespmem:s31+$0x1B0]  }
0x36: {  	s29 =	sor.u32 $0x20, s31;
	v3 =	vld [tilespmem:s30+$0x0]  }
0x37: {  	s28 =	sor.u32 $0x30, s31;
	v4 =	vld [tilespmem:s29+$0x0]  }
0x38: {  	s0 =	simm.s32 $0x0;
	v1 =	vld [tilespmem:s28+$0x0]  }
0x39: {  	v23 =	vld [tilespmem:s0+$0x9E00]  }
0x3a: {  	v22 =	vld [tilespmem:s0+$0x3600]  }
0x3b: {  	v9 =	vsub.f32 v10, v2  }
0x3c: {  	v19 =	vsub.f32 v14, v5;
	v21 =	vsub.f32 v15, v6  }
0x3d: {  	v27 =	vld [tilespmem:s0+$0x200];
	v24 =	vsub.f32 v16, v7;
	v26 =	vsub.f32 v17, v8  }
0x3e: {  	v20 =	vsub.f32 v11, v3;
	v25 =	vsub.f32 v13, v1;
	v28 =	vmin.f32 v14, v23  }
0x3f: {  	v29 =	vmax.f32 v5, v22;
	v19 =	vmul.f32 v19, v9;
	v9 =	vsub.f32 v12, v4  }
0x40: {  	v18 =	vld [tilespmem:s0+$0xD200];
	v31 =	vmin.f32 v15, v23;
	v32 =	vmax.f32 v6, v22;
	v33 =	vmin.f32 v16, v23  }
0x41: {  	v34 =	vmax.f32 v7, v22;
	v20 =	vmul.f32 v21, v20;
	v21 =	vmul.f32 v24, v9;
	v24 =	vld [tilespmem:s0+$0x6A00]  }
0x42: {  	v23 =	vmin.f32 v17, v23;
	v22 =	vmax.f32 v8, v22;
	v36 =	vmax.f32 v2, v27  }
0x43: {  	v38 =	vmax.f32 v3, v27;
	v28 =	vsub.f32 v28, v29;
	v29 =	vmax.f32 v4, v27  }
0x44: {  	v31 =	vsub.f32 v31, v32;
	v33 =	vsub.f32 v33, v34;
	v27 =	vmax.f32 v1, v27  }
0x45: {  	s2 =	simm.s32 $0x80;
	v22 =	vsub.f32 v23, v22;
	v34 =	vimm.f32 $0.0e+00;
	v9 =	vmul.f32 v26, v25  }
0x46: {  	v23 =	vld [tilespmem:s2+$0x3600];
	v25 =	vadd.f32 v18, v19;
	v26 =	vadd.f32 v18, v20;
	v35 =	vmin.f32 v10, v24  }
0x47: {  	v30 =	vadd.f32 v18, v21;
	v37 =	vmin.f32 v11, v24;
	v59 =	vsub.f32 v35, v36  }
0x48: {  	v18 =	vadd.f32 v18, v9;
	v39 =	vmin.f32 v12, v24;
	v60 =	vsub.f32 v37, v38  }
0x49: {  	v24 =	vmin.f32 v13, v24;
	v61 =	vsub.f32 v39, v29;
	v29 =	vmax.f32 v59, $0.0e+00  }
0x4a: {  	v24 =	vsub.f32 v24, v27;
	v39 =	vld [tilespmem:s2+$0x200];
	v27 =	vmax.f32 v60, $0.0e+00;
	v28 =	vmul.f32 v28, v29  }
0x4b: {  	v63 =	vmax.f32 v6, v23;
	v31 =	vmul.f32 v31, v27;
	v27 =	vmax.f32 v61, $0.0e+00  }
0x4c: {  	v24 =	vmax.f32 v24, $0.0e+00;
	v29 =	vld [tilespmem:s2+$0xD200];
	v32 =	vmul.f32 v33, v27;
	v25 =	vsub.f32 v25, v28  }
0x4d: {  	v44 =	vmax.f32 v7, v23;
	v35 =	vmul.f32 v22, v24;
	v26 =	vsub.f32 v26, v31  }
0x4e: {  	v41 =	vmax.f32 v8, v23;
	v24 =	vld [tilespmem:s2+$0x6A00];
	v22 =	vsub.f32 v30, v32;
	(erf) = vrcp.f32 v25  }
0x4f: {  	v27 =	vld [tilespmem:s2+$0x9E00];
	v18 =	vsub.f32 v18, v35;
	v53 =	vmax.f32 v2, v39;
	(erf) = vrcp.f32 v26  }
0x50: {  	v50 =	vmax.f32 v3, v39;
	v49 =	vmax.f32 v4, v39;
	(erf) = vrcp.f32 v22  }
0x51: {  	v25 =	vimm.f32 $0.0e+00;
	v38 =	vadd.f32 v29, v19;
	(erf) = vrcp.f32 v18  }
0x52: {  	v30 =	vld [tilespmem:$0x10600];
	v37 =	vadd.f32 v29, v20;
	v26 =	vmax.f32 v5, v23;
	v36 =	vadd.f32 v29, v21  }
0x53: {  	v52 =	vmin.f32 v10, v24;
	v48 =	vmin.f32 v11, v24;
	v47 =	vmin.f32 v12, v24  }
0x54: {  	v45 =	vmin.f32 v13, v24;
	v24 =	vimm.f32 $0.0e+00;
	v22 =	vmin.f32 v14, v27  }
0x55: {  	v62 =	vmin.f32 v15, v27;
	v43 =	vmin.f32 v16, v27;
	v40 =	vmin.f32 v17, v27  }
0x56: {  	v27 =	vimm.f32 $0.0e+00;
	v18 =	vld [tilespmem:s0+$0x10600];
	v46 =	vsub.f32 v22, v26;
	v42 =	vsub.f32 v62, v63  }
0x57: {  	p0 =	por p1, p1;
	v22 =	vld [tilespmem:s2+$0x10600];
	s0 =	simm.s32 $0x400;
	v33 =	vmov v30;
	v26 =	vmov v30;
	v23 =	vmov v30;
	v51 =	vpop (erf)  }
.LBB2_3:
0x58: {  	p1 =	sne.s32 s0, $0xC600;
	v52 =	vsub.f32 v52, v53;
	v43 =	vsub.f32 v43, v44;
	v39 =	vmax.f32 v1, v39;
	v44 =	vpop (erf)  }
0x59: {  	v48 =	vsub.f32 v48, v50;
	v47 =	vsub.f32 v47, v49;
	v49 =	vmul.f32 v51, v28;
	v28 =	vpop (erf)  }
0x5a: {  	v39 =	vsub.f32 v45, v39;
	v31 =	vmul.f32 v44, v31;
	v50 =	vmax.f32 v52, $0.0e+00;
	v44 =	vpop (erf)  }
0x5b: {  	vm0 =	vgt.f32 v49, v25;
	v32 =	vmul.f32 v28, v32;
	v35 =	vmul.f32 v44, v35  }
0x5c: {  	v28 =	vmul.f32 v46, v50;
	v44 =	vmax.f32 v48, $0.0e+00;
	v25 =	vsel vm0, v49, v25  }
0x5d: {  	vm3 =	vgt.f32 v31, v34;
	vm1 =	vgt.f32 v32, v27;
	vm2 =	vgt.f32 v35, v24  }
0x5e: {  	s2 =	sshra.s32 s0, $0x2;
	v34 =	vsel vm3, v31, v34;
	v27 =	vsel vm1, v32, v27;
	v24 =	vsel vm2, v35, v24  }
0x5f: {  	v31 =	vmul.f32 v42, v44;
	v32 =	vmax.f32 v47, $0.0e+00;
	v35 =	vsub.f32 v40, v41;
	v45 =	vld [tilespmem:s2+$0xD200]  }
0x60: {  	v39 =	vmax.f32 v39, $0.0e+00;
	v38 =	vsub.f32 v38, v28;
	v32 =	vmul.f32 v43, v32;
	v41 =	vld [tilespmem:s2+$0x3600]  }
0x61: {  	v44 =	vadd.f32 v29, v9;
	v37 =	vsub.f32 v37, v31;
	v35 =	vmul.f32 v35, v39;
	v40 =	vld [tilespmem:s2+$0x9E00]  }
0x62: {  	v30 =	vsel vm0, v18, v30;
	v36 =	vsub.f32 v36, v32;
	v42 =	vld [tilespmem:s2+$0x10600];
	(erf) = vrcp.f32 v38  }
0x63: {  	v33 =	vsel vm3, v18, v33;
	v43 =	vsub.f32 v44, v35;
	v39 =	vld [tilespmem:s2+$0x200];
	(erf) = vrcp.f32 v37  }
0x64: {  	v26 =	vsel vm1, v18, v26;
	v23 =	vsel vm2, v18, v23;
	v18 =	vmovc v22;
	v51 =	vld [tilespmem:s2+$0x6A00];
	(erf) = vrcp.f32 v36;
	v29 =	vmovc v45  }
0x65: {  	v38 =	vadd.f32 v29, v19;
	v37 =	vadd.f32 v29, v20;
	(erf) = vrcp.f32 v43  }
0x66: {  	v46 =	vmax.f32 v5, v41;
	v36 =	vadd.f32 v29, v21;
	v45 =	vmin.f32 v14, v40  }
.Ltmp0:
0x67: {  	v55 =	vmax.f32 v6, v41;
	v54 =	vmin.f32 v15, v40;
	v43 =	vmin.f32 v16, v40;
	v22 =	vmovc v42;
	(pc) =	sbr.rel @p1 .LBB2_3-.Ltmp0, $4  }
0x68: {  	v44 =	vmax.f32 v7, v41;
	v41 =	vmax.f32 v8, v41;
	v40 =	vmin.f32 v17, v40  }
0x69: {  	v53 =	vmax.f32 v2, v39;
	v52 =	vmin.f32 v10, v51;
	v48 =	vmin.f32 v11, v51  }
0x6a: {  	v50 =	vmax.f32 v3, v39;
	v49 =	vmax.f32 v4, v39;
	v47 =	vmin.f32 v12, v51  }
0x6b: {  	s0 =	sadd.s32 $0x200, s0;
	v46 =	vsub.f32 v45, v46;
	v42 =	vsub.f32 v54, v55;
	v45 =	vmin.f32 v13, v51;
	v51 =	vpop (erf)  }
0x6c: {  	v2 =	vsub.f32 v52, v53;
	_ =	sdelay $0x1  }
0x6d: {  	v2 =	vmax.f32 v2, $0.0e+00  }
0x6e: {  	v2 =	vmul.f32 v46, v2  }
0x6f: {  	v3 =	vsub.f32 v48, v50  }
0x70: {  	v4 =	vsub.f32 v38, v2  }
0x71: {  	v3 =	vmax.f32 v3, $0.0e+00  }
0x72: {  	v3 =	vmul.f32 v42, v3;
	(erf) = vrcp.f32 v4  }
0x73: {  	v42 =	vsub.f32 v47, v49  }
0x74: {  	v5 =	vsub.f32 v43, v44;
	v6 =	vsub.f32 v37, v3  }
0x75: {  	v4 =	vmax.f32 v42, $0.0e+00  }
0x76: {  	v1 =	vmax.f32 v1, v39;
	v4 =	vmul.f32 v5, v4;
	(erf) = vrcp.f32 v6  }
0x77: {  	v1 =	vsub.f32 v45, v1  }
0x78: {  	v44 =	vpop (erf);
	v45 =	vsub.f32 v40, v41;
	v7 =	vsub.f32 v36, v4  }
0x79: {  	v8 =	vmul.f32 v51, v28;
	v10 =	vpop (erf);
	v1 =	vmax.f32 v1, $0.0e+00  }
0x7a: {  	v11 =	vpop (erf);
	v46 =	vadd.f32 v29, v9;
	v1 =	vmul.f32 v45, v1;
	(erf) = vrcp.f32 v7  }
0x7b: {  	vm0 =	vgt.f32 v8, v25;
	v47 =	vpop (erf)  }
0x7c: {  	v48 =	vmul.f32 v10, v32;
	v6 =	vsub.f32 v46, v1;
	v2 =	vmul.f32 v47, v2  }
0x7d: {  	v49 =	vmul.f32 v11, v35;
	v8 =	vsel vm0, v8, v25;
	v5 =	vmul.f32 v44, v31  }
0x7e: {  	v50 =	vsel vm0, v18, v30;
	(erf) = vrcp.f32 v6;
	vm6 =	vgt.f32 v2, v8  }
0x7f: {  	vm1 =	vgt.f32 v5, v34;
	v51 =	vpop (erf);
	v2 =	vsel vm6, v2, v8;
	v52 =	vsel vm6, v22, v50  }
0x80: {  	v3 =	vmul.f32 v51, v3;
	vm7 =	vge.f32 v2, $5.000000000e-01;
	v53 =	vshrl.u32 v52, $0x7;
	[tilespmem:s31+$0x13A00] =	vst v2  }
0x81: {  	v2 =	vsel vm1, v5, v34;
	v54 =	vand.u32 $0x7F, v52;
	[tilespmem:s31+$0x13A80] =	vst v53;
	v55 =	vsel vm7, $0x1, v0  }
0x82: {  	v56 =	vsel vm1, v18, v33;
	vm8 =	vgt.f32 v3, v2;
	v5 =	vnsel vm7, $0x50, v54;
	[tilespmem:s31+$0x13B00] =	vst v55  }
0x83: {  	vm9 =	vgt.f32 v48, v27;
	v57 =	vpop (erf);
	v2 =	vsel vm8, v3, v2;
	v3 =	vsel vm8, v22, v56;
	[tilespmem:s31+$0x13B80] =	vst v5  }
0x84: {  	v4 =	vmul.f32 v57, v4;
	vm10 =	vge.f32 v2, $5.000000000e-01;
	v58 =	vshrl.u32 v3, $0x7;
	[tilespmem:s30+$0x13A00] =	vst v2  }
0x85: {  	v2 =	vsel vm9, v48, v27;
	v3 =	vand.u32 $0x7F, v3;
	[tilespmem:s30+$0x13A80] =	vst v58;
	v59 =	vsel vm10, $0x1, v0  }
0x86: {  	v60 =	vsel vm9, v18, v26;
	vm11 =	vgt.f32 v4, v2;
	v3 =	vnsel vm10, $0x50, v3;
	[tilespmem:s30+$0x13B00] =	vst v59  }
0x87: {  	vm12 =	vgt.f32 v49, v24;
	v61 =	vpop (erf);
	v2 =	vsel vm11, v4, v2;
	v62 =	vsel vm11, v22, v60;
	[tilespmem:s30+$0x13B80] =	vst v3  }
0x88: {  	v1 =	vmul.f32 v61, v1;
	vm13 =	vge.f32 v2, $5.000000000e-01;
	v3 =	vshrl.u32 v62, $0x7;
	[tilespmem:s29+$0x13A00] =	vst v2  }
0x89: {  	v2 =	vsel vm12, v49, v24;
	v4 =	vand.u32 $0x7F, v62;
	[tilespmem:s29+$0x13A80] =	vst v3;
	v3 =	vsel vm13, $0x1, v0  }
0x8a: {  	v63 =	vsel vm12, v18, v23;
	vm14 =	vgt.f32 v1, v2;
	[tilespmem:s29+$0x13B00] =	vst v3;
	v3 =	vnsel vm13, $0x50, v4  }
.Ltmp1:
0x8b: {  	v1 =	vsel vm14, v1, v2;
	v2 =	vsel vm14, v22, v63;
	[tilespmem:s29+$0x13B80] =	vst v3;
	(pc) =	sbr.rel @p0 .LBB2_2-.Ltmp1, $4  }
0x8c: {  	vm15 =	vge.f32 v1, $5.000000000e-01;
	v3 =	vshrl.u32 v2, $0x7;
	[tilespmem:s28+$0x13A00] =	vst v1  }
0x8d: {  	v1 =	vand.u32 $0x7F, v2;
	[tilespmem:s28+$0x13A80] =	vst v3;
	v2 =	vsel vm15, $0x1, v0  }
0x8e: {  	[tilespmem:s28+$0x13B00] =	vst v2;
	v1 =	vnsel vm15, $0x50, v1  }
0x8f: {  	p1 =	por $0x0, $0x0;
	s31 =	simm.s32 $0x40;
	[tilespmem:s28+$0x13B80] =	vst v1  }
0x90: {  	[hbm4b:s6+s3] =	stream.linear.scatter [tilespmem:s22], [sflag:$0x1], $0x80, $0x38;
	[tilespmem:$0x13C00] =	vst v63  }
0x91: {  	_ = 	snop  }
0x92: {  	[hbm4b:s7+s3] =	stream.linear.scatter [tilespmem:s23], [sflag:$0x1], $0x80, $0x38;
	[tilespmem:$0x13C00] =	vst v63  }
0x93: {  	_ = 	snop  }
0x94: {  	[hbm4b:s8+s3] =	stream.linear.scatter [tilespmem:s24], [sflag:$0x1], $0x80, $0x38;
	[tilespmem:$0x13C00] =	vst v63  }
0x95: {  	_ = 	snop  }
0x96: {  	[hbm4b:s9+s3] =	stream.linear.scatter [tilespmem:s25], [sflag:$0x1], $0x80, $0x38;
	[tilespmem:$0x13C00] =	vst v63  }
0x97: {  	_ =	swait.ge [sflag:s21], $0x80  }
0x98: {  	[sflag:s21] =	ssyncset.done $0x0  }
0x99: {  	[sflag:s21] =	ssyncadd.s32 $0xFFFFFF80  }
0x9a: {  	_ =	swait.ge [sflag:s21], $0x80  }
0x9b: {  	[sflag:s21] =	ssyncset.done $0x0  }
0x9c: {  	s26 =	sadd.s32 $0x1, s26;
	[sflag:s21] =	ssyncadd.s32 $0xFFFFFF80  }
0x9d: {  	p0 =	sne.s32 s26, s10;
	_ =	swait.ge [sflag:s21], $0x80  }
.Ltmp2:
0x9e: {  	[sflag:s21] =	ssyncset.done $0x0;
	(pc) =	sbr.rel @p0 .LBB2_1-.Ltmp2, $4  }
0x9f: {  	[sflag:s21] =	ssyncadd.s32 $0xFFFFFF80  }
0xa0: {  	_ =	swait.ge [sflag:s21], $0x80  }
0xa1: {  	[sflag:s21] =	ssyncset.done $0x0  }
0xa2: {  	[sflag:s21] =	ssyncadd.s32 $0xFFFFFF80  }
0xa3: {  	_ =	sfence.sel $0x180000  }
0xa4: {  	[bflag:$0x0] =	sbarrier.arrive $0xFFFF  }
0xa5: {  	_ =	strace $0x90000047  }
0xa6: {  	s0 =	stileid.u32;
	[bflag:$0x2] =	sbarrier.arrive $0xFFFF  }
0xa7: {  	p0 =	sne.s32 s0, $0x0;
	s0 =	rddreg [dreg:$0x6]  }
0xa8: {  	s0 =	sadd.s32 @!p0 $0x100000, s0  }
0xa9: {  	[sflag:s0] =	ssyncadd.tile.s32 @!p0 $0x1;
	_ =	shalt  }
.Lfunc_end2:
_tile_overlayer_lowered:
.L_overlay_start_2:
0xaa: {  	(tag) =	ssettag $0x2  }
0xab: {  	s0 =	rddreg [dreg:$0x0];
	s2 =	stileid.u32  }
0xac: {  	s1 =	rddreg [dreg:$0x1];
	p0 =	sne.s32 s2, $0x0  }
0xad: {  	s3 =	rddreg [dreg:$0x2];
	[bflag:$0x3] =	sbarrier.arrive $0xFFFF;
	s2 =	simm.s32 @!p0 $0x1C02  }
0xae: {  	[timem:s3], [sflag:s2] =	dma.local @!p0 [hbm:s0], s1  }
0xaf: {  	s0 =	simm.s32 @!p0 $0x2  }
0xb0: {  	_ =	swait.ge @!p0 [sflag:s0], s1  }
0xb1: {  	s1 =	ssub.s32 @!p0 $0x0, s1;
	[sflag:s0] =	ssyncset.done @!p0 $0x0  }
0xb2: {  	[sflag:s0] =	ssyncadd.s32 @!p0 s1  }
0xb3: {  	[bflag:$0x3] =	sbarrier.arrive $0xFFFF  }
0xb4: {  	_ =	shalt  }

</sc_bundles>
